<compile_context>
chip_gen: v7x
topology: tpu7x:2x2x1
jax: 0.10.2.dev20260603
libtpu: 0.0.44.dev20260713+nightly
codegen_flags: <defaults>
</compile_context>

<pallas_src>
import functools

import jax
import jax.numpy as jnp
from jax import lax
from jax.experimental import pallas as pl
from jax.experimental.pallas import tpu as pltpu
from jax.experimental.pallas import tpu_sc as plsc

_OMEGA = 64
_SINK = 5
_KWIN = 3
_PRATIO = 0.2


def _score_body(attn_ref, surv_ref, flat_ref, acc_ref, *, nr, num_windows,
                review_end, S, keep, tail_start):
    h = pl.program_id(0)
    r = pl.program_id(1)

    block = attn_ref[0]
    chunk_sum = jnp.sum(block, axis=0, keepdims=True)

    if nr > 1:
        @pl.when(r == 0)
        def _init():
            acc_ref[...] = chunk_sum

        @pl.when(r > 0)
        def _acc():
            acc_ref[...] += chunk_sum

    def _finish_impl(colsum):
        cpad = colsum.shape[1]

        col = lax.broadcasted_iota(jnp.int32, (cpad, num_windows), 0)
        wid = lax.broadcasted_iota(jnp.int32, (cpad, num_windows), 1)
        member = ((col >= _SINK) & (col < review_end)
                  & ((col - _SINK) // _OMEGA == wid))
        mmat = member.astype(jnp.float32)
        ws = lax.dot_general(colsum, mmat,
                             dimension_numbers=(((1,), (0,)), ((), ())),
                             preferred_element_type=jnp.float32,
                             precision=lax.Precision.HIGHEST)

        widx = lax.broadcasted_iota(jnp.int32, (1, num_windows), 1)
        cur = ws
        picks = []
        for _ in range(_KWIN):
            mx = jnp.max(cur, axis=1, keepdims=True)
            sel = jnp.where(cur == mx, widx, num_windows)
            idx = jnp.min(sel, axis=1, keepdims=True)
            picks.append(idx)
            cur = jnp.where(widx == idx, -jnp.inf, cur)
        a, b, c = picks
        lo = jnp.minimum(jnp.minimum(a, b), c)
        hi = jnp.maximum(jnp.maximum(a, b), c)
        mid = a + b + c - lo - hi

        j = lax.broadcasted_iota(jnp.int32, (1, keep), 1)
        tj = j - _SINK
        wslot = tj // _OMEGA
        off = tj - wslot * _OMEGA
        wsel = jnp.where(wslot == 0, lo, jnp.where(wslot == 1, mid, hi))
        win_tok = wsel * _OMEGA + _SINK + off
        surv = jnp.where(j < _SINK, j,
                         jnp.where(j < tail_start, win_tok,
                                   j - tail_start + review_end))
        surv_ref[...] = surv[None]

        ncol = keep // 8
        j2 = (lax.broadcasted_iota(jnp.int32, (8, ncol), 0) * ncol
              + lax.broadcasted_iota(jnp.int32, (8, ncol), 1))
        tj2 = j2 - _SINK
        wslot2 = tj2 // _OMEGA
        off2 = tj2 - wslot2 * _OMEGA
        wsel2 = jnp.where(wslot2 == 0, lo, jnp.where(wslot2 == 1, mid, hi))
        win_tok2 = wsel2 * _OMEGA + _SINK + off2
        surv2 = jnp.where(j2 < _SINK, j2,
                          jnp.where(j2 < tail_start, win_tok2,
                                    j2 - tail_start + review_end))
        flat_ref[...] = surv2 + h * S

    if nr > 1:
        @pl.when(r == nr - 1)
        def _finish():
            _finish_impl(acc_ref[...])
    else:
        _finish_impl(chunk_sum)


def _make_score_call(H, S, keep, nr, rchunk, cpad, num_windows, review_end,
                     tail_start):
    body = functools.partial(_score_body, nr=nr, num_windows=num_windows,
                             review_end=review_end, S=S, keep=keep,
                             tail_start=tail_start)
    return pl.pallas_call(
        body,
        grid=(H, nr),
        in_specs=[pl.BlockSpec((1, rchunk, cpad), lambda h, r: (h, r, 0))],
        out_specs=[pl.BlockSpec((1, 1, keep), lambda h, r: (h, 0, 0)),
                   pl.BlockSpec((8, keep // 8), lambda h, r: (h, 0))],
        out_shape=[jax.ShapeDtypeStruct((H, 1, keep), jnp.int32),
                   jax.ShapeDtypeStruct((H * 8, keep // 8), jnp.int32)],
        scratch_shapes=[pltpu.VMEM((1, cpad), jnp.float32)],
    )


def _make_gather(total_rows, D, nw, nchunks, chunk):
    mesh = plsc.VectorSubcoreMesh(core_axis_name="c", subcore_axis_name="s")

    @functools.partial(
        pl.kernel,
        mesh=mesh,
        out_type=[jax.ShapeDtypeStruct((total_rows, D), jnp.float32),
                  jax.ShapeDtypeStruct((total_rows, D), jnp.float32)],
        scratch_types=[pltpu.VMEM((nchunks, chunk), jnp.int32),
                       pltpu.VMEM((2 * nchunks, chunk, D), jnp.float32),
                       pltpu.SemaphoreType.DMA,
                       pltpu.SemaphoreType.DMA],
    )
    def _gather(kt_hbm, vt_hbm, idx_hbm, ko_hbm, vo_hbm, idxv, rows, gsem,
                ssem):
        wid = lax.axis_index("s") * 2 + lax.axis_index("c")
        pltpu.sync_copy(idx_hbm.at[pl.ds(wid * nchunks, nchunks)], idxv)
        jobs = [(kt_hbm, ko_hbm, t) for t in range(nchunks)]
        jobs += [(vt_hbm, vo_hbm, t) for t in range(nchunks)]
        gathers = []
        for j, (src, _, t) in enumerate(jobs):
            gathers.append(pltpu.async_copy(src.at[idxv.at[t]], rows.at[j],
                                            gsem))
        for g in gathers:
            g.wait()
        stores = []
        for j, (_, dst, t) in enumerate(jobs):
            base = (wid * nchunks + t) * chunk
            stores.append(pltpu.async_copy(rows.at[j],
                                           dst.at[pl.ds(base, chunk)], ssem))
        for s in stores:
            s.wait()

    return _gather


def kernel(past_k, past_v, attn_score_cache):
    B, H, S, D = past_k.shape
    local_num = int(_PRATIO * S) // _OMEGA
    score_end = max(_SINK, S - local_num * _OMEGA - _OMEGA)
    num_windows = max(0, (score_end - _SINK) // _OMEGA)
    review_end = _SINK + num_windows * _OMEGA
    tail_start = _SINK + _KWIN * _OMEGA
    keep = tail_start + (S - review_end)

    attn3 = attn_score_cache[0]
    cpad = ((review_end + 127) // 128) * 128
    rchunk = S
    nr = S // rchunk

    surv, flat = _make_score_call(H, S, keep, nr, rchunk, cpad, num_windows,
                                  review_end, tail_start)(attn3)
    surv = surv.reshape(H, keep)

    total_rows = H * keep
    nw = 32
    nchunks = 4
    chunk = total_rows // (nw * nchunks)

    idx2d = flat
    kt = past_k[0].reshape(H * S, D)
    vt = past_v[0].reshape(H * S, D)

    ko, vo = _make_gather(total_rows, D, nw, nchunks, chunk)(kt, vt, idx2d)

    k_new = ko.reshape(1, H, keep, D)
    v_new = vo.reshape(1, H, keep, D)
    return k_new, v_new, surv

# --- scband reference (transcript-rebuilt; emitter-appended) ---
"""Pipeline reference for scband-stickykvcache-layer-wise-14637248545497 (READ-ONLY COPY).

The authoritative reference and input builder live on the scoring server;
editing this copy changes nothing except your own understanding.
"""

import jax, jax.numpy as jnp
import numpy as np

# Constants mirroring sticky_config (OMEGA, SINK_TOKENS) and module hyperparams
OMEGA = 64
SINK_TOKENS = 5
K_WINDOWS = 3
P_RATIO = 0.2  # local_cache_ratio -> determines protected local window count


def setup_inputs(seed: int = 0) -> dict:
    key = jax.random.key(seed)
    k1, k2, k3 = jax.random.split(key, 3)
    B, H, S, D = 1, 16, 2048, 128
    past_k = jax.random.normal(k1, (B, H, S, D), dtype=jnp.float32)
    past_v = jax.random.normal(k2, (B, H, S, D), dtype=jnp.float32)
    attn = jax.random.uniform(k3, (B, H, S, S), dtype=jnp.float32)
    attn = attn / jnp.sum(attn, axis=-1, keepdims=True)  # attention-like rows
    return {"past_k": past_k, "past_v": past_v, "attn_score_cache": attn}


def reference(past_k, past_v, attn_score_cache):
    # Prompt-stage (prefill) eviction path of STICKYKVCache_LayerWise:
    # 1) score OMEGA-sized windows of past keys by total attention mass received
    # 2) keep sink tokens, top-K_WINDOWS sticky windows, and the recent local/observation region
    # 3) gather surviving (k, v) entries per head -> compacted cache
    B, H, S, D = past_k.shape
    local_num = int(P_RATIO * S) // OMEGA  # number of protected local windows
    score_end = max(SINK_TOKENS, S - local_num * OMEGA - OMEGA)
    num_windows = max(0, (score_end - SINK_TOKENS) // OMEGA)
    review_end = SINK_TOKENS + num_windows * OMEGA

    # window scores: sum over queries, then segment-sum over OMEGA-sized key windows
    scores_slice = attn_score_cache[0, :, :S, SINK_TOKENS:review_end]  # [H, S, W*omega]
    obs_sum = scores_slice.sum(axis=1)                                  # [H, W*omega]
    win_scores = obs_sum.reshape(H, num_windows, OMEGA).sum(axis=2).astype(jnp.float32)  # [H, W]

    # per-head top-k sticky windows
    _, top_win = jax.lax.top_k(win_scores, K_WINDOWS)                   # [H, K]

    # window_to_token_map: window w -> tokens w*OMEGA + SINK_TOKENS + arange(OMEGA)
    win_tokens = (top_win[:, :, None] * OMEGA + SINK_TOKENS
                  + jnp.arange(OMEGA, dtype=top_win.dtype)[None, None, :]).reshape(H, K_WINDOWS * OMEGA)

    sink = jnp.broadcast_to(jnp.arange(SINK_TOKENS, dtype=win_tokens.dtype)[None, :], (H, SINK_TOKENS))
    tail = jnp.broadcast_to(jnp.arange(review_end, S, dtype=win_tokens.dtype)[None, :], (H, S - review_end))

    survivors = jnp.sort(jnp.concatenate([sink, win_tokens, tail], axis=1), axis=1)  # [H, keep]

    # per-head gather of surviving kv entries (memory-bound row gather)
    idx = survivors[:, :, None]
    k_new = jnp.take_along_axis(past_k[0], idx, axis=1)[None]  # [1, H, keep, D]
    v_new = jnp.take_along_axis(past_v[0], idx, axis=1)[None]  # [1, H, keep, D]
    return k_new, v_new, survivors

if __name__ == "__main__":
    import jax
    _d = setup_inputs()
    print(jax.jit(kernel)(*tuple(_d.values())))

</pallas_src>

<mosaic_0001>
#map = affine_map<(d0, d1) -> (0, 0)>
module attributes {stable_mosaic.version = 14 : i64} {
  func.func @_gather(%arg0: i32, %arg1: i32, %arg2: memref<32768x128xf32, #tpu.memory_space<hbm>>, %arg3: memref<32768x128xf32, #tpu.memory_space<hbm>>, %arg4: memref<128x88xi32, #tpu.memory_space<hbm>>, %arg5: memref<11264x128xf32, #tpu.memory_space<hbm>>, %arg6: memref<11264x128xf32, #tpu.memory_space<hbm>>, %arg7: memref<4x88xi32, #tpu.memory_space<vmem>>, %arg8: memref<8x88x128xf32, #tpu.memory_space<vmem>>, %arg9: memref<!tpu.dma_semaphore, #tpu.memory_space<semaphore_mem>>, %arg10: memref<!tpu.dma_semaphore, #tpu.memory_space<semaphore_mem>>) attributes {dimension_semantics = [#tpu.dimension_semantics<core_parallel>, #tpu.dimension_semantics<subcore_parallel>], iteration_bounds = array<i64: 2, 16>, scalar_prefetch = 0 : i64, scratch_operands = 4 : i64, tpu.core_type = #tpu.core_type<sc_vector_subcore>, window_params = [{transform_indices = #map}, {transform_indices = #map}, {transform_indices = #map}, {transform_indices = #map}, {transform_indices = #map}]} {
    %mul3A = arith.constant 2 : i32
    %mul3A_0 = arith.muli %arg1, %mul3A : i32
    %add3A = arith.addi %mul3A_0, %arg0 : i32
    %mul3A_1 = arith.constant 4 : i32
    %mul3A_2 = arith.muli %add3A, %mul3A_1 : i32
    "tpu.region"() ({
      %run_scoped3A = tpu.sem_alloc : memref<!tpu.dma_semaphore, #tpu.memory_space<semaphore_mem>>
      %dma_start3A_449 = arith.constant 0 : i32
      %dma_start3A_450 = tpu.memref_slice %arg4[%mul3A_2, %dma_start3A_449] : memref<128x88xi32, #tpu.memory_space<hbm>> -> memref<4x88xi32, #tpu.memory_space<hbm>>
      %dma_start3A_451 = arith.constant 0 : i32
      %dma_start3A_452 = tpu.memref_slice %arg4[%mul3A_2, %dma_start3A_451] : memref<128x88xi32, #tpu.memory_space<hbm>> -> memref<4x88xi32, #tpu.memory_space<hbm>>
      tpu.enqueue_dma source(%dma_start3A_452 : memref<4x88xi32, #tpu.memory_space<hbm>>) target(%arg7 : memref<4x88xi32, #tpu.memory_space<vmem>>) target_semaphore(%run_scoped3A : memref<!tpu.dma_semaphore, #tpu.memory_space<semaphore_mem>>)
      %dma_wait3A_453 = arith.constant 0 : i32
      %dma_wait3A_454 = tpu.memref_slice %arg4[%mul3A_2, %dma_wait3A_453] : memref<128x88xi32, #tpu.memory_space<hbm>> -> memref<4x88xi32, #tpu.memory_space<hbm>>
      %dma_wait3A_455 = arith.constant 0 : i32
      %dma_wait3A_456 = tpu.memref_slice %arg4[%mul3A_2, %dma_wait3A_455] : memref<128x88xi32, #tpu.memory_space<hbm>> -> memref<4x88xi32, #tpu.memory_space<hbm>>
      tpu.wait_dma2 semaphore(%run_scoped3A : memref<!tpu.dma_semaphore, #tpu.memory_space<semaphore_mem>>) src(%dma_wait3A_456 : memref<4x88xi32, #tpu.memory_space<hbm>>) dst(%arg7 : memref<4x88xi32, #tpu.memory_space<vmem>>)
      tpu.yield
    }) : () -> ()
    %dma_start3A = arith.constant 0 : i32
    %dma_start3A_3 = arith.constant 0 : i32
    %dma_start3A_4 = arith.constant 0 : i32
    %dma_start3A_5 = arith.constant 0 : i32
    %dma_start3A_6 = tpu.memref_slice %arg8[%dma_start3A_3, %dma_start3A_4, %dma_start3A_5] : memref<8x88x128xf32, #tpu.memory_space<vmem>> -> memref<1x88x128xf32, #tpu.memory_space<vmem>>
    %dma_start3A_7 = tpu.memref_squeeze %dma_start3A_6 : memref<1x88x128xf32, #tpu.memory_space<vmem>> -> memref<88x128xf32, #tpu.memory_space<vmem>>
    %dma_start3A_8 = arith.constant 0 : i32
    %dma_start3A_9 = tpu.memref_slice %arg7[%dma_start3A, %dma_start3A_8] : memref<4x88xi32, #tpu.memory_space<vmem>> -> memref<1x88xi32, #tpu.memory_space<vmem>>
    %dma_start3A_10 = tpu.memref_squeeze %dma_start3A_9 : memref<1x88xi32, #tpu.memory_space<vmem>> -> memref<88xi32, #tpu.memory_space<vmem>>
    %dma_start3A_11 = arith.constant 0 : i32
    %dma_start3A_12 = arith.constant 0 : i32
    %dma_start3A_13 = tpu.memref_slice %arg2[%dma_start3A_11, %dma_start3A_12] : memref<32768x128xf32, #tpu.memory_space<hbm>> -> memref<32768x128xf32, #tpu.memory_space<hbm>>
    tpu.enqueue_indirect_dma source(%dma_start3A_13 : memref<32768x128xf32, #tpu.memory_space<hbm>>) target(%dma_start3A_7 : memref<88x128xf32, #tpu.memory_space<vmem>>) offsets(%dma_start3A_10 : memref<88xi32, #tpu.memory_space<vmem>>) semaphore(%arg9 : memref<!tpu.dma_semaphore, #tpu.memory_space<semaphore_mem>>)
    %dma_start3A_14 = arith.constant 1 : i32
    %dma_start3A_15 = arith.constant 1 : i32
    %dma_start3A_16 = arith.constant 0 : i32
    %dma_start3A_17 = arith.constant 0 : i32
    %dma_start3A_18 = tpu.memref_slice %arg8[%dma_start3A_15, %dma_start3A_16, %dma_start3A_17] : memref<8x88x128xf32, #tpu.memory_space<vmem>> -> memref<1x88x128xf32, #tpu.memory_space<vmem>>
    %dma_start3A_19 = tpu.memref_squeeze %dma_start3A_18 : memref<1x88x128xf32, #tpu.memory_space<vmem>> -> memref<88x128xf32, #tpu.memory_space<vmem>>
    %dma_start3A_20 = arith.constant 0 : i32
    %dma_start3A_21 = tpu.memref_slice %arg7[%dma_start3A_14, %dma_start3A_20] : memref<4x88xi32, #tpu.memory_space<vmem>> -> memref<1x88xi32, #tpu.memory_space<vmem>>
    %dma_start3A_22 = tpu.memref_squeeze %dma_start3A_21 : memref<1x88xi32, #tpu.memory_space<vmem>> -> memref<88xi32, #tpu.memory_space<vmem>>
    %dma_start3A_23 = arith.constant 0 : i32
    %dma_start3A_24 = arith.constant 0 : i32
    %dma_start3A_25 = tpu.memref_slice %arg2[%dma_start3A_23, %dma_start3A_24] : memref<32768x128xf32, #tpu.memory_space<hbm>> -> memref<32768x128xf32, #tpu.memory_space<hbm>>
    tpu.enqueue_indirect_dma source(%dma_start3A_25 : memref<32768x128xf32, #tpu.memory_space<hbm>>) target(%dma_start3A_19 : memref<88x128xf32, #tpu.memory_space<vmem>>) offsets(%dma_start3A_22 : memref<88xi32, #tpu.memory_space<vmem>>) semaphore(%arg9 : memref<!tpu.dma_semaphore, #tpu.memory_space<semaphore_mem>>)
    %dma_start3A_26 = arith.constant 2 : i32
    %dma_start3A_27 = arith.constant 2 : i32
    %dma_start3A_28 = arith.constant 0 : i32
    %dma_start3A_29 = arith.constant 0 : i32
    %dma_start3A_30 = tpu.memref_slice %arg8[%dma_start3A_27, %dma_start3A_28, %dma_start3A_29] : memref<8x88x128xf32, #tpu.memory_space<vmem>> -> memref<1x88x128xf32, #tpu.memory_space<vmem>>
    %dma_start3A_31 = tpu.memref_squeeze %dma_start3A_30 : memref<1x88x128xf32, #tpu.memory_space<vmem>> -> memref<88x128xf32, #tpu.memory_space<vmem>>
    %dma_start3A_32 = arith.constant 0 : i32
    %dma_start3A_33 = tpu.memref_slice %arg7[%dma_start3A_26, %dma_start3A_32] : memref<4x88xi32, #tpu.memory_space<vmem>> -> memref<1x88xi32, #tpu.memory_space<vmem>>
    %dma_start3A_34 = tpu.memref_squeeze %dma_start3A_33 : memref<1x88xi32, #tpu.memory_space<vmem>> -> memref<88xi32, #tpu.memory_space<vmem>>
    %dma_start3A_35 = arith.constant 0 : i32
    %dma_start3A_36 = arith.constant 0 : i32
    %dma_start3A_37 = tpu.memref_slice %arg2[%dma_start3A_35, %dma_start3A_36] : memref<32768x128xf32, #tpu.memory_space<hbm>> -> memref<32768x128xf32, #tpu.memory_space<hbm>>
    tpu.enqueue_indirect_dma source(%dma_start3A_37 : memref<32768x128xf32, #tpu.memory_space<hbm>>) target(%dma_start3A_31 : memref<88x128xf32, #tpu.memory_space<vmem>>) offsets(%dma_start3A_34 : memref<88xi32, #tpu.memory_space<vmem>>) semaphore(%arg9 : memref<!tpu.dma_semaphore, #tpu.memory_space<semaphore_mem>>)
    %dma_start3A_38 = arith.constant 3 : i32
    %dma_start3A_39 = arith.constant 3 : i32
    %dma_start3A_40 = arith.constant 0 : i32
    %dma_start3A_41 = arith.constant 0 : i32
    %dma_start3A_42 = tpu.memref_slice %arg8[%dma_start3A_39, %dma_start3A_40, %dma_start3A_41] : memref<8x88x128xf32, #tpu.memory_space<vmem>> -> memref<1x88x128xf32, #tpu.memory_space<vmem>>
    %dma_start3A_43 = tpu.memref_squeeze %dma_start3A_42 : memref<1x88x128xf32, #tpu.memory_space<vmem>> -> memref<88x128xf32, #tpu.memory_space<vmem>>
    %dma_start3A_44 = arith.constant 0 : i32
    %dma_start3A_45 = tpu.memref_slice %arg7[%dma_start3A_38, %dma_start3A_44] : memref<4x88xi32, #tpu.memory_space<vmem>> -> memref<1x88xi32, #tpu.memory_space<vmem>>
    %dma_start3A_46 = tpu.memref_squeeze %dma_start3A_45 : memref<1x88xi32, #tpu.memory_space<vmem>> -> memref<88xi32, #tpu.memory_space<vmem>>
    %dma_start3A_47 = arith.constant 0 : i32
    %dma_start3A_48 = arith.constant 0 : i32
    %dma_start3A_49 = tpu.memref_slice %arg2[%dma_start3A_47, %dma_start3A_48] : memref<32768x128xf32, #tpu.memory_space<hbm>> -> memref<32768x128xf32, #tpu.memory_space<hbm>>
    tpu.enqueue_indirect_dma source(%dma_start3A_49 : memref<32768x128xf32, #tpu.memory_space<hbm>>) target(%dma_start3A_43 : memref<88x128xf32, #tpu.memory_space<vmem>>) offsets(%dma_start3A_46 : memref<88xi32, #tpu.memory_space<vmem>>) semaphore(%arg9 : memref<!tpu.dma_semaphore, #tpu.memory_space<semaphore_mem>>)
    %dma_start3A_50 = arith.constant 0 : i32
    %dma_start3A_51 = arith.constant 4 : i32
    %dma_start3A_52 = arith.constant 0 : i32
    %dma_start3A_53 = arith.constant 0 : i32
    %dma_start3A_54 = tpu.memref_slice %arg8[%dma_start3A_51, %dma_start3A_52, %dma_start3A_53] : memref<8x88x128xf32, #tpu.memory_space<vmem>> -> memref<1x88x128xf32, #tpu.memory_space<vmem>>
    %dma_start3A_55 = tpu.memref_squeeze %dma_start3A_54 : memref<1x88x128xf32, #tpu.memory_space<vmem>> -> memref<88x128xf32, #tpu.memory_space<vmem>>
    %dma_start3A_56 = arith.constant 0 : i32
    %dma_start3A_57 = tpu.memref_slice %arg7[%dma_start3A_50, %dma_start3A_56] : memref<4x88xi32, #tpu.memory_space<vmem>> -> memref<1x88xi32, #tpu.memory_space<vmem>>
    %dma_start3A_58 = tpu.memref_squeeze %dma_start3A_57 : memref<1x88xi32, #tpu.memory_space<vmem>> -> memref<88xi32, #tpu.memory_space<vmem>>
    %dma_start3A_59 = arith.constant 0 : i32
    %dma_start3A_60 = arith.constant 0 : i32
    %dma_start3A_61 = tpu.memref_slice %arg3[%dma_start3A_59, %dma_start3A_60] : memref<32768x128xf32, #tpu.memory_space<hbm>> -> memref<32768x128xf32, #tpu.memory_space<hbm>>
    tpu.enqueue_indirect_dma source(%dma_start3A_61 : memref<32768x128xf32, #tpu.memory_space<hbm>>) target(%dma_start3A_55 : memref<88x128xf32, #tpu.memory_space<vmem>>) offsets(%dma_start3A_58 : memref<88xi32, #tpu.memory_space<vmem>>) semaphore(%arg9 : memref<!tpu.dma_semaphore, #tpu.memory_space<semaphore_mem>>)
    %dma_start3A_62 = arith.constant 1 : i32
    %dma_start3A_63 = arith.constant 5 : i32
    %dma_start3A_64 = arith.constant 0 : i32
    %dma_start3A_65 = arith.constant 0 : i32
    %dma_start3A_66 = tpu.memref_slice %arg8[%dma_start3A_63, %dma_start3A_64, %dma_start3A_65] : memref<8x88x128xf32, #tpu.memory_space<vmem>> -> memref<1x88x128xf32, #tpu.memory_space<vmem>>
    %dma_start3A_67 = tpu.memref_squeeze %dma_start3A_66 : memref<1x88x128xf32, #tpu.memory_space<vmem>> -> memref<88x128xf32, #tpu.memory_space<vmem>>
    %dma_start3A_68 = arith.constant 0 : i32
    %dma_start3A_69 = tpu.memref_slice %arg7[%dma_start3A_62, %dma_start3A_68] : memref<4x88xi32, #tpu.memory_space<vmem>> -> memref<1x88xi32, #tpu.memory_space<vmem>>
    %dma_start3A_70 = tpu.memref_squeeze %dma_start3A_69 : memref<1x88xi32, #tpu.memory_space<vmem>> -> memref<88xi32, #tpu.memory_space<vmem>>
    %dma_start3A_71 = arith.constant 0 : i32
    %dma_start3A_72 = arith.constant 0 : i32
    %dma_start3A_73 = tpu.memref_slice %arg3[%dma_start3A_71, %dma_start3A_72] : memref<32768x128xf32, #tpu.memory_space<hbm>> -> memref<32768x128xf32, #tpu.memory_space<hbm>>
    tpu.enqueue_indirect_dma source(%dma_start3A_73 : memref<32768x128xf32, #tpu.memory_space<hbm>>) target(%dma_start3A_67 : memref<88x128xf32, #tpu.memory_space<vmem>>) offsets(%dma_start3A_70 : memref<88xi32, #tpu.memory_space<vmem>>) semaphore(%arg9 : memref<!tpu.dma_semaphore, #tpu.memory_space<semaphore_mem>>)
    %dma_start3A_74 = arith.constant 2 : i32
    %dma_start3A_75 = arith.constant 6 : i32
    %dma_start3A_76 = arith.constant 0 : i32
    %dma_start3A_77 = arith.constant 0 : i32
    %dma_start3A_78 = tpu.memref_slice %arg8[%dma_start3A_75, %dma_start3A_76, %dma_start3A_77] : memref<8x88x128xf32, #tpu.memory_space<vmem>> -> memref<1x88x128xf32, #tpu.memory_space<vmem>>
    %dma_start3A_79 = tpu.memref_squeeze %dma_start3A_78 : memref<1x88x128xf32, #tpu.memory_space<vmem>> -> memref<88x128xf32, #tpu.memory_space<vmem>>
    %dma_start3A_80 = arith.constant 0 : i32
    %dma_start3A_81 = tpu.memref_slice %arg7[%dma_start3A_74, %dma_start3A_80] : memref<4x88xi32, #tpu.memory_space<vmem>> -> memref<1x88xi32, #tpu.memory_space<vmem>>
    %dma_start3A_82 = tpu.memref_squeeze %dma_start3A_81 : memref<1x88xi32, #tpu.memory_space<vmem>> -> memref<88xi32, #tpu.memory_space<vmem>>
    %dma_start3A_83 = arith.constant 0 : i32
    %dma_start3A_84 = arith.constant 0 : i32
    %dma_start3A_85 = tpu.memref_slice %arg3[%dma_start3A_83, %dma_start3A_84] : memref<32768x128xf32, #tpu.memory_space<hbm>> -> memref<32768x128xf32, #tpu.memory_space<hbm>>
    tpu.enqueue_indirect_dma source(%dma_start3A_85 : memref<32768x128xf32, #tpu.memory_space<hbm>>) target(%dma_start3A_79 : memref<88x128xf32, #tpu.memory_space<vmem>>) offsets(%dma_start3A_82 : memref<88xi32, #tpu.memory_space<vmem>>) semaphore(%arg9 : memref<!tpu.dma_semaphore, #tpu.memory_space<semaphore_mem>>)
    %dma_start3A_86 = arith.constant 3 : i32
    %dma_start3A_87 = arith.constant 7 : i32
    %dma_start3A_88 = arith.constant 0 : i32
    %dma_start3A_89 = arith.constant 0 : i32
    %dma_start3A_90 = tpu.memref_slice %arg8[%dma_start3A_87, %dma_start3A_88, %dma_start3A_89] : memref<8x88x128xf32, #tpu.memory_space<vmem>> -> memref<1x88x128xf32, #tpu.memory_space<vmem>>
    %dma_start3A_91 = tpu.memref_squeeze %dma_start3A_90 : memref<1x88x128xf32, #tpu.memory_space<vmem>> -> memref<88x128xf32, #tpu.memory_space<vmem>>
    %dma_start3A_92 = arith.constant 0 : i32
    %dma_start3A_93 = tpu.memref_slice %arg7[%dma_start3A_86, %dma_start3A_92] : memref<4x88xi32, #tpu.memory_space<vmem>> -> memref<1x88xi32, #tpu.memory_space<vmem>>
    %dma_start3A_94 = tpu.memref_squeeze %dma_start3A_93 : memref<1x88xi32, #tpu.memory_space<vmem>> -> memref<88xi32, #tpu.memory_space<vmem>>
    %dma_start3A_95 = arith.constant 0 : i32
    %dma_start3A_96 = arith.constant 0 : i32
    %dma_start3A_97 = tpu.memref_slice %arg3[%dma_start3A_95, %dma_start3A_96] : memref<32768x128xf32, #tpu.memory_space<hbm>> -> memref<32768x128xf32, #tpu.memory_space<hbm>>
    tpu.enqueue_indirect_dma source(%dma_start3A_97 : memref<32768x128xf32, #tpu.memory_space<hbm>>) target(%dma_start3A_91 : memref<88x128xf32, #tpu.memory_space<vmem>>) offsets(%dma_start3A_94 : memref<88xi32, #tpu.memory_space<vmem>>) semaphore(%arg9 : memref<!tpu.dma_semaphore, #tpu.memory_space<semaphore_mem>>)
    %dma_wait3A = arith.constant 0 : i32
    %dma_wait3A_98 = arith.constant 0 : i32
    %dma_wait3A_99 = arith.constant 0 : i32
    %dma_wait3A_100 = arith.constant 0 : i32
    %dma_wait3A_101 = tpu.memref_slice %arg8[%dma_wait3A_98, %dma_wait3A_99, %dma_wait3A_100] : memref<8x88x128xf32, #tpu.memory_space<vmem>> -> memref<1x88x128xf32, #tpu.memory_space<vmem>>
    %dma_wait3A_102 = tpu.memref_squeeze %dma_wait3A_101 : memref<1x88x128xf32, #tpu.memory_space<vmem>> -> memref<88x128xf32, #tpu.memory_space<vmem>>
    %dma_wait3A_103 = arith.constant 0 : i32
    %dma_wait3A_104 = tpu.memref_slice %arg7[%dma_wait3A, %dma_wait3A_103] : memref<4x88xi32, #tpu.memory_space<vmem>> -> memref<1x88xi32, #tpu.memory_space<vmem>>
    %dma_wait3A_105 = tpu.memref_squeeze %dma_wait3A_104 : memref<1x88xi32, #tpu.memory_space<vmem>> -> memref<88xi32, #tpu.memory_space<vmem>>
    %dma_wait3A_106 = arith.constant 0 : i32
    %dma_wait3A_107 = arith.constant 0 : i32
    %dma_wait3A_108 = tpu.memref_slice %arg2[%dma_wait3A_106, %dma_wait3A_107] : memref<32768x128xf32, #tpu.memory_space<hbm>> -> memref<32768x128xf32, #tpu.memory_space<hbm>>
    tpu.wait_indirect_dma semaphore(%arg9 : memref<!tpu.dma_semaphore, #tpu.memory_space<semaphore_mem>>) src(%dma_wait3A_108 : memref<32768x128xf32, #tpu.memory_space<hbm>>) dst(%dma_wait3A_102 : memref<88x128xf32, #tpu.memory_space<vmem>>)
    %dma_wait3A_109 = arith.constant 1 : i32
    %dma_wait3A_110 = arith.constant 1 : i32
    %dma_wait3A_111 = arith.constant 0 : i32
    %dma_wait3A_112 = arith.constant 0 : i32
    %dma_wait3A_113 = tpu.memref_slice %arg8[%dma_wait3A_110, %dma_wait3A_111, %dma_wait3A_112] : memref<8x88x128xf32, #tpu.memory_space<vmem>> -> memref<1x88x128xf32, #tpu.memory_space<vmem>>
    %dma_wait3A_114 = tpu.memref_squeeze %dma_wait3A_113 : memref<1x88x128xf32, #tpu.memory_space<vmem>> -> memref<88x128xf32, #tpu.memory_space<vmem>>
    %dma_wait3A_115 = arith.constant 0 : i32
    %dma_wait3A_116 = tpu.memref_slice %arg7[%dma_wait3A_109, %dma_wait3A_115] : memref<4x88xi32, #tpu.memory_space<vmem>> -> memref<1x88xi32, #tpu.memory_space<vmem>>
    %dma_wait3A_117 = tpu.memref_squeeze %dma_wait3A_116 : memref<1x88xi32, #tpu.memory_space<vmem>> -> memref<88xi32, #tpu.memory_space<vmem>>
    %dma_wait3A_118 = arith.constant 0 : i32
    %dma_wait3A_119 = arith.constant 0 : i32
    %dma_wait3A_120 = tpu.memref_slice %arg2[%dma_wait3A_118, %dma_wait3A_119] : memref<32768x128xf32, #tpu.memory_space<hbm>> -> memref<32768x128xf32, #tpu.memory_space<hbm>>
    tpu.wait_indirect_dma semaphore(%arg9 : memref<!tpu.dma_semaphore, #tpu.memory_space<semaphore_mem>>) src(%dma_wait3A_120 : memref<32768x128xf32, #tpu.memory_space<hbm>>) dst(%dma_wait3A_114 : memref<88x128xf32, #tpu.memory_space<vmem>>)
    %dma_wait3A_121 = arith.constant 2 : i32
    %dma_wait3A_122 = arith.constant 2 : i32
    %dma_wait3A_123 = arith.constant 0 : i32
    %dma_wait3A_124 = arith.constant 0 : i32
    %dma_wait3A_125 = tpu.memref_slice %arg8[%dma_wait3A_122, %dma_wait3A_123, %dma_wait3A_124] : memref<8x88x128xf32, #tpu.memory_space<vmem>> -> memref<1x88x128xf32, #tpu.memory_space<vmem>>
    %dma_wait3A_126 = tpu.memref_squeeze %dma_wait3A_125 : memref<1x88x128xf32, #tpu.memory_space<vmem>> -> memref<88x128xf32, #tpu.memory_space<vmem>>
    %dma_wait3A_127 = arith.constant 0 : i32
    %dma_wait3A_128 = tpu.memref_slice %arg7[%dma_wait3A_121, %dma_wait3A_127] : memref<4x88xi32, #tpu.memory_space<vmem>> -> memref<1x88xi32, #tpu.memory_space<vmem>>
    %dma_wait3A_129 = tpu.memref_squeeze %dma_wait3A_128 : memref<1x88xi32, #tpu.memory_space<vmem>> -> memref<88xi32, #tpu.memory_space<vmem>>
    %dma_wait3A_130 = arith.constant 0 : i32
    %dma_wait3A_131 = arith.constant 0 : i32
    %dma_wait3A_132 = tpu.memref_slice %arg2[%dma_wait3A_130, %dma_wait3A_131] : memref<32768x128xf32, #tpu.memory_space<hbm>> -> memref<32768x128xf32, #tpu.memory_space<hbm>>
    tpu.wait_indirect_dma semaphore(%arg9 : memref<!tpu.dma_semaphore, #tpu.memory_space<semaphore_mem>>) src(%dma_wait3A_132 : memref<32768x128xf32, #tpu.memory_space<hbm>>) dst(%dma_wait3A_126 : memref<88x128xf32, #tpu.memory_space<vmem>>)
    %dma_wait3A_133 = arith.constant 3 : i32
    %dma_wait3A_134 = arith.constant 3 : i32
    %dma_wait3A_135 = arith.constant 0 : i32
    %dma_wait3A_136 = arith.constant 0 : i32
    %dma_wait3A_137 = tpu.memref_slice %arg8[%dma_wait3A_134, %dma_wait3A_135, %dma_wait3A_136] : memref<8x88x128xf32, #tpu.memory_space<vmem>> -> memref<1x88x128xf32, #tpu.memory_space<vmem>>
    %dma_wait3A_138 = tpu.memref_squeeze %dma_wait3A_137 : memref<1x88x128xf32, #tpu.memory_space<vmem>> -> memref<88x128xf32, #tpu.memory_space<vmem>>
    %dma_wait3A_139 = arith.constant 0 : i32
    %dma_wait3A_140 = tpu.memref_slice %arg7[%dma_wait3A_133, %dma_wait3A_139] : memref<4x88xi32, #tpu.memory_space<vmem>> -> memref<1x88xi32, #tpu.memory_space<vmem>>
    %dma_wait3A_141 = tpu.memref_squeeze %dma_wait3A_140 : memref<1x88xi32, #tpu.memory_space<vmem>> -> memref<88xi32, #tpu.memory_space<vmem>>
    %dma_wait3A_142 = arith.constant 0 : i32
    %dma_wait3A_143 = arith.constant 0 : i32
    %dma_wait3A_144 = tpu.memref_slice %arg2[%dma_wait3A_142, %dma_wait3A_143] : memref<32768x128xf32, #tpu.memory_space<hbm>> -> memref<32768x128xf32, #tpu.memory_space<hbm>>
    tpu.wait_indirect_dma semaphore(%arg9 : memref<!tpu.dma_semaphore, #tpu.memory_space<semaphore_mem>>) src(%dma_wait3A_144 : memref<32768x128xf32, #tpu.memory_space<hbm>>) dst(%dma_wait3A_138 : memref<88x128xf32, #tpu.memory_space<vmem>>)
    %dma_wait3A_145 = arith.constant 0 : i32
    %dma_wait3A_146 = arith.constant 4 : i32
    %dma_wait3A_147 = arith.constant 0 : i32
    %dma_wait3A_148 = arith.constant 0 : i32
    %dma_wait3A_149 = tpu.memref_slice %arg8[%dma_wait3A_146, %dma_wait3A_147, %dma_wait3A_148] : memref<8x88x128xf32, #tpu.memory_space<vmem>> -> memref<1x88x128xf32, #tpu.memory_space<vmem>>
    %dma_wait3A_150 = tpu.memref_squeeze %dma_wait3A_149 : memref<1x88x128xf32, #tpu.memory_space<vmem>> -> memref<88x128xf32, #tpu.memory_space<vmem>>
    %dma_wait3A_151 = arith.constant 0 : i32
    %dma_wait3A_152 = tpu.memref_slice %arg7[%dma_wait3A_145, %dma_wait3A_151] : memref<4x88xi32, #tpu.memory_space<vmem>> -> memref<1x88xi32, #tpu.memory_space<vmem>>
    %dma_wait3A_153 = tpu.memref_squeeze %dma_wait3A_152 : memref<1x88xi32, #tpu.memory_space<vmem>> -> memref<88xi32, #tpu.memory_space<vmem>>
    %dma_wait3A_154 = arith.constant 0 : i32
    %dma_wait3A_155 = arith.constant 0 : i32
    %dma_wait3A_156 = tpu.memref_slice %arg3[%dma_wait3A_154, %dma_wait3A_155] : memref<32768x128xf32, #tpu.memory_space<hbm>> -> memref<32768x128xf32, #tpu.memory_space<hbm>>
    tpu.wait_indirect_dma semaphore(%arg9 : memref<!tpu.dma_semaphore, #tpu.memory_space<semaphore_mem>>) src(%dma_wait3A_156 : memref<32768x128xf32, #tpu.memory_space<hbm>>) dst(%dma_wait3A_150 : memref<88x128xf32, #tpu.memory_space<vmem>>)
    %dma_wait3A_157 = arith.constant 1 : i32
    %dma_wait3A_158 = arith.constant 5 : i32
    %dma_wait3A_159 = arith.constant 0 : i32
    %dma_wait3A_160 = arith.constant 0 : i32
    %dma_wait3A_161 = tpu.memref_slice %arg8[%dma_wait3A_158, %dma_wait3A_159, %dma_wait3A_160] : memref<8x88x128xf32, #tpu.memory_space<vmem>> -> memref<1x88x128xf32, #tpu.memory_space<vmem>>
    %dma_wait3A_162 = tpu.memref_squeeze %dma_wait3A_161 : memref<1x88x128xf32, #tpu.memory_space<vmem>> -> memref<88x128xf32, #tpu.memory_space<vmem>>
    %dma_wait3A_163 = arith.constant 0 : i32
    %dma_wait3A_164 = tpu.memref_slice %arg7[%dma_wait3A_157, %dma_wait3A_163] : memref<4x88xi32, #tpu.memory_space<vmem>> -> memref<1x88xi32, #tpu.memory_space<vmem>>
    %dma_wait3A_165 = tpu.memref_squeeze %dma_wait3A_164 : memref<1x88xi32, #tpu.memory_space<vmem>> -> memref<88xi32, #tpu.memory_space<vmem>>
    %dma_wait3A_166 = arith.constant 0 : i32
    %dma_wait3A_167 = arith.constant 0 : i32
    %dma_wait3A_168 = tpu.memref_slice %arg3[%dma_wait3A_166, %dma_wait3A_167] : memref<32768x128xf32, #tpu.memory_space<hbm>> -> memref<32768x128xf32, #tpu.memory_space<hbm>>
    tpu.wait_indirect_dma semaphore(%arg9 : memref<!tpu.dma_semaphore, #tpu.memory_space<semaphore_mem>>) src(%dma_wait3A_168 : memref<32768x128xf32, #tpu.memory_space<hbm>>) dst(%dma_wait3A_162 : memref<88x128xf32, #tpu.memory_space<vmem>>)
    %dma_wait3A_169 = arith.constant 2 : i32
    %dma_wait3A_170 = arith.constant 6 : i32
    %dma_wait3A_171 = arith.constant 0 : i32
    %dma_wait3A_172 = arith.constant 0 : i32
    %dma_wait3A_173 = tpu.memref_slice %arg8[%dma_wait3A_170, %dma_wait3A_171, %dma_wait3A_172] : memref<8x88x128xf32, #tpu.memory_space<vmem>> -> memref<1x88x128xf32, #tpu.memory_space<vmem>>
    %dma_wait3A_174 = tpu.memref_squeeze %dma_wait3A_173 : memref<1x88x128xf32, #tpu.memory_space<vmem>> -> memref<88x128xf32, #tpu.memory_space<vmem>>
    %dma_wait3A_175 = arith.constant 0 : i32
    %dma_wait3A_176 = tpu.memref_slice %arg7[%dma_wait3A_169, %dma_wait3A_175] : memref<4x88xi32, #tpu.memory_space<vmem>> -> memref<1x88xi32, #tpu.memory_space<vmem>>
    %dma_wait3A_177 = tpu.memref_squeeze %dma_wait3A_176 : memref<1x88xi32, #tpu.memory_space<vmem>> -> memref<88xi32, #tpu.memory_space<vmem>>
    %dma_wait3A_178 = arith.constant 0 : i32
    %dma_wait3A_179 = arith.constant 0 : i32
    %dma_wait3A_180 = tpu.memref_slice %arg3[%dma_wait3A_178, %dma_wait3A_179] : memref<32768x128xf32, #tpu.memory_space<hbm>> -> memref<32768x128xf32, #tpu.memory_space<hbm>>
    tpu.wait_indirect_dma semaphore(%arg9 : memref<!tpu.dma_semaphore, #tpu.memory_space<semaphore_mem>>) src(%dma_wait3A_180 : memref<32768x128xf32, #tpu.memory_space<hbm>>) dst(%dma_wait3A_174 : memref<88x128xf32, #tpu.memory_space<vmem>>)
    %dma_wait3A_181 = arith.constant 3 : i32
    %dma_wait3A_182 = arith.constant 7 : i32
    %dma_wait3A_183 = arith.constant 0 : i32
    %dma_wait3A_184 = arith.constant 0 : i32
    %dma_wait3A_185 = tpu.memref_slice %arg8[%dma_wait3A_182, %dma_wait3A_183, %dma_wait3A_184] : memref<8x88x128xf32, #tpu.memory_space<vmem>> -> memref<1x88x128xf32, #tpu.memory_space<vmem>>
    %dma_wait3A_186 = tpu.memref_squeeze %dma_wait3A_185 : memref<1x88x128xf32, #tpu.memory_space<vmem>> -> memref<88x128xf32, #tpu.memory_space<vmem>>
    %dma_wait3A_187 = arith.constant 0 : i32
    %dma_wait3A_188 = tpu.memref_slice %arg7[%dma_wait3A_181, %dma_wait3A_187] : memref<4x88xi32, #tpu.memory_space<vmem>> -> memref<1x88xi32, #tpu.memory_space<vmem>>
    %dma_wait3A_189 = tpu.memref_squeeze %dma_wait3A_188 : memref<1x88xi32, #tpu.memory_space<vmem>> -> memref<88xi32, #tpu.memory_space<vmem>>
    %dma_wait3A_190 = arith.constant 0 : i32
    %dma_wait3A_191 = arith.constant 0 : i32
    %dma_wait3A_192 = tpu.memref_slice %arg3[%dma_wait3A_190, %dma_wait3A_191] : memref<32768x128xf32, #tpu.memory_space<hbm>> -> memref<32768x128xf32, #tpu.memory_space<hbm>>
    tpu.wait_indirect_dma semaphore(%arg9 : memref<!tpu.dma_semaphore, #tpu.memory_space<semaphore_mem>>) src(%dma_wait3A_192 : memref<32768x128xf32, #tpu.memory_space<hbm>>) dst(%dma_wait3A_186 : memref<88x128xf32, #tpu.memory_space<vmem>>)
    %mul3A_193 = arith.constant 4 : i32
    %mul3A_194 = arith.muli %add3A, %mul3A_193 : i32
    %add3A_195 = arith.constant 0 : i32
    %add3A_196 = arith.addi %mul3A_194, %add3A_195 : i32
    %mul3A_197 = arith.constant 88 : i32
    %mul3A_198 = arith.muli %add3A_196, %mul3A_197 : i32
    %dma_start3A_199 = arith.constant 0 : i32
    %dma_start3A_200 = arith.constant 0 : i32
    %dma_start3A_201 = arith.constant 0 : i32
    %dma_start3A_202 = tpu.memref_slice %arg8[%dma_start3A_199, %dma_start3A_200, %dma_start3A_201] : memref<8x88x128xf32, #tpu.memory_space<vmem>> -> memref<1x88x128xf32, #tpu.memory_space<vmem>>
    %dma_start3A_203 = tpu.memref_squeeze %dma_start3A_202 : memref<1x88x128xf32, #tpu.memory_space<vmem>> -> memref<88x128xf32, #tpu.memory_space<vmem>>
    %dma_start3A_204 = arith.constant 0 : i32
    %dma_start3A_205 = tpu.memref_slice %arg5[%mul3A_198, %dma_start3A_204] : memref<11264x128xf32, #tpu.memory_space<hbm>> -> memref<88x128xf32, #tpu.memory_space<hbm>>
    %dma_start3A_206 = arith.constant 0 : i32
    %dma_start3A_207 = tpu.memref_slice %arg5[%mul3A_198, %dma_start3A_206] : memref<11264x128xf32, #tpu.memory_space<hbm>> -> memref<88x128xf32, #tpu.memory_space<hbm>>
    %dma_start3A_208 = arith.constant 0 : i32
    %dma_start3A_209 = arith.constant 0 : i32
    %dma_start3A_210 = tpu.memref_slice %arg8[%dma_start3A_199, %dma_start3A_208, %dma_start3A_209] : memref<8x88x128xf32, #tpu.memory_space<vmem>> -> memref<1x88x128xf32, #tpu.memory_space<vmem>>
    %dma_start3A_211 = tpu.memref_squeeze %dma_start3A_210 : memref<1x88x128xf32, #tpu.memory_space<vmem>> -> memref<88x128xf32, #tpu.memory_space<vmem>>
    tpu.enqueue_dma source(%dma_start3A_211 : memref<88x128xf32, #tpu.memory_space<vmem>>) target(%dma_start3A_207 : memref<88x128xf32, #tpu.memory_space<hbm>>) target_semaphore(%arg10 : memref<!tpu.dma_semaphore, #tpu.memory_space<semaphore_mem>>)
    %mul3A_212 = arith.constant 4 : i32
    %mul3A_213 = arith.muli %add3A, %mul3A_212 : i32
    %add3A_214 = arith.constant 1 : i32
    %add3A_215 = arith.addi %mul3A_213, %add3A_214 : i32
    %mul3A_216 = arith.constant 88 : i32
    %mul3A_217 = arith.muli %add3A_215, %mul3A_216 : i32
    %dma_start3A_218 = arith.constant 1 : i32
    %dma_start3A_219 = arith.constant 0 : i32
    %dma_start3A_220 = arith.constant 0 : i32
    %dma_start3A_221 = tpu.memref_slice %arg8[%dma_start3A_218, %dma_start3A_219, %dma_start3A_220] : memref<8x88x128xf32, #tpu.memory_space<vmem>> -> memref<1x88x128xf32, #tpu.memory_space<vmem>>
    %dma_start3A_222 = tpu.memref_squeeze %dma_start3A_221 : memref<1x88x128xf32, #tpu.memory_space<vmem>> -> memref<88x128xf32, #tpu.memory_space<vmem>>
    %dma_start3A_223 = arith.constant 0 : i32
    %dma_start3A_224 = tpu.memref_slice %arg5[%mul3A_217, %dma_start3A_223] : memref<11264x128xf32, #tpu.memory_space<hbm>> -> memref<88x128xf32, #tpu.memory_space<hbm>>
    %dma_start3A_225 = arith.constant 0 : i32
    %dma_start3A_226 = tpu.memref_slice %arg5[%mul3A_217, %dma_start3A_225] : memref<11264x128xf32, #tpu.memory_space<hbm>> -> memref<88x128xf32, #tpu.memory_space<hbm>>
    %dma_start3A_227 = arith.constant 0 : i32
    %dma_start3A_228 = arith.constant 0 : i32
    %dma_start3A_229 = tpu.memref_slice %arg8[%dma_start3A_218, %dma_start3A_227, %dma_start3A_228] : memref<8x88x128xf32, #tpu.memory_space<vmem>> -> memref<1x88x128xf32, #tpu.memory_space<vmem>>
    %dma_start3A_230 = tpu.memref_squeeze %dma_start3A_229 : memref<1x88x128xf32, #tpu.memory_space<vmem>> -> memref<88x128xf32, #tpu.memory_space<vmem>>
    tpu.enqueue_dma source(%dma_start3A_230 : memref<88x128xf32, #tpu.memory_space<vmem>>) target(%dma_start3A_226 : memref<88x128xf32, #tpu.memory_space<hbm>>) target_semaphore(%arg10 : memref<!tpu.dma_semaphore, #tpu.memory_space<semaphore_mem>>)
    %mul3A_231 = arith.constant 4 : i32
    %mul3A_232 = arith.muli %add3A, %mul3A_231 : i32
    %add3A_233 = arith.constant 2 : i32
    %add3A_234 = arith.addi %mul3A_232, %add3A_233 : i32
    %mul3A_235 = arith.constant 88 : i32
    %mul3A_236 = arith.muli %add3A_234, %mul3A_235 : i32
    %dma_start3A_237 = arith.constant 2 : i32
    %dma_start3A_238 = arith.constant 0 : i32
    %dma_start3A_239 = arith.constant 0 : i32
    %dma_start3A_240 = tpu.memref_slice %arg8[%dma_start3A_237, %dma_start3A_238, %dma_start3A_239] : memref<8x88x128xf32, #tpu.memory_space<vmem>> -> memref<1x88x128xf32, #tpu.memory_space<vmem>>
    %dma_start3A_241 = tpu.memref_squeeze %dma_start3A_240 : memref<1x88x128xf32, #tpu.memory_space<vmem>> -> memref<88x128xf32, #tpu.memory_space<vmem>>
    %dma_start3A_242 = arith.constant 0 : i32
    %dma_start3A_243 = tpu.memref_slice %arg5[%mul3A_236, %dma_start3A_242] : memref<11264x128xf32, #tpu.memory_space<hbm>> -> memref<88x128xf32, #tpu.memory_space<hbm>>
    %dma_start3A_244 = arith.constant 0 : i32
    %dma_start3A_245 = tpu.memref_slice %arg5[%mul3A_236, %dma_start3A_244] : memref<11264x128xf32, #tpu.memory_space<hbm>> -> memref<88x128xf32, #tpu.memory_space<hbm>>
    %dma_start3A_246 = arith.constant 0 : i32
    %dma_start3A_247 = arith.constant 0 : i32
    %dma_start3A_248 = tpu.memref_slice %arg8[%dma_start3A_237, %dma_start3A_246, %dma_start3A_247] : memref<8x88x128xf32, #tpu.memory_space<vmem>> -> memref<1x88x128xf32, #tpu.memory_space<vmem>>
    %dma_start3A_249 = tpu.memref_squeeze %dma_start3A_248 : memref<1x88x128xf32, #tpu.memory_space<vmem>> -> memref<88x128xf32, #tpu.memory_space<vmem>>
    tpu.enqueue_dma source(%dma_start3A_249 : memref<88x128xf32, #tpu.memory_space<vmem>>) target(%dma_start3A_245 : memref<88x128xf32, #tpu.memory_space<hbm>>) target_semaphore(%arg10 : memref<!tpu.dma_semaphore, #tpu.memory_space<semaphore_mem>>)
    %mul3A_250 = arith.constant 4 : i32
    %mul3A_251 = arith.muli %add3A, %mul3A_250 : i32
    %add3A_252 = arith.constant 3 : i32
    %add3A_253 = arith.addi %mul3A_251, %add3A_252 : i32
    %mul3A_254 = arith.constant 88 : i32
    %mul3A_255 = arith.muli %add3A_253, %mul3A_254 : i32
    %dma_start3A_256 = arith.constant 3 : i32
    %dma_start3A_257 = arith.constant 0 : i32
    %dma_start3A_258 = arith.constant 0 : i32
    %dma_start3A_259 = tpu.memref_slice %arg8[%dma_start3A_256, %dma_start3A_257, %dma_start3A_258] : memref<8x88x128xf32, #tpu.memory_space<vmem>> -> memref<1x88x128xf32, #tpu.memory_space<vmem>>
    %dma_start3A_260 = tpu.memref_squeeze %dma_start3A_259 : memref<1x88x128xf32, #tpu.memory_space<vmem>> -> memref<88x128xf32, #tpu.memory_space<vmem>>
    %dma_start3A_261 = arith.constant 0 : i32
    %dma_start3A_262 = tpu.memref_slice %arg5[%mul3A_255, %dma_start3A_261] : memref<11264x128xf32, #tpu.memory_space<hbm>> -> memref<88x128xf32, #tpu.memory_space<hbm>>
    %dma_start3A_263 = arith.constant 0 : i32
    %dma_start3A_264 = tpu.memref_slice %arg5[%mul3A_255, %dma_start3A_263] : memref<11264x128xf32, #tpu.memory_space<hbm>> -> memref<88x128xf32, #tpu.memory_space<hbm>>
    %dma_start3A_265 = arith.constant 0 : i32
    %dma_start3A_266 = arith.constant 0 : i32
    %dma_start3A_267 = tpu.memref_slice %arg8[%dma_start3A_256, %dma_start3A_265, %dma_start3A_266] : memref<8x88x128xf32, #tpu.memory_space<vmem>> -> memref<1x88x128xf32, #tpu.memory_space<vmem>>
    %dma_start3A_268 = tpu.memref_squeeze %dma_start3A_267 : memref<1x88x128xf32, #tpu.memory_space<vmem>> -> memref<88x128xf32, #tpu.memory_space<vmem>>
    tpu.enqueue_dma source(%dma_start3A_268 : memref<88x128xf32, #tpu.memory_space<vmem>>) target(%dma_start3A_264 : memref<88x128xf32, #tpu.memory_space<hbm>>) target_semaphore(%arg10 : memref<!tpu.dma_semaphore, #tpu.memory_space<semaphore_mem>>)
    %mul3A_269 = arith.constant 4 : i32
    %mul3A_270 = arith.muli %add3A, %mul3A_269 : i32
    %add3A_271 = arith.constant 0 : i32
    %add3A_272 = arith.addi %mul3A_270, %add3A_271 : i32
    %mul3A_273 = arith.constant 88 : i32
    %mul3A_274 = arith.muli %add3A_272, %mul3A_273 : i32
    %dma_start3A_275 = arith.constant 4 : i32
    %dma_start3A_276 = arith.constant 0 : i32
    %dma_start3A_277 = arith.constant 0 : i32
    %dma_start3A_278 = tpu.memref_slice %arg8[%dma_start3A_275, %dma_start3A_276, %dma_start3A_277] : memref<8x88x128xf32, #tpu.memory_space<vmem>> -> memref<1x88x128xf32, #tpu.memory_space<vmem>>
    %dma_start3A_279 = tpu.memref_squeeze %dma_start3A_278 : memref<1x88x128xf32, #tpu.memory_space<vmem>> -> memref<88x128xf32, #tpu.memory_space<vmem>>
    %dma_start3A_280 = arith.constant 0 : i32
    %dma_start3A_281 = tpu.memref_slice %arg6[%mul3A_274, %dma_start3A_280] : memref<11264x128xf32, #tpu.memory_space<hbm>> -> memref<88x128xf32, #tpu.memory_space<hbm>>
    %dma_start3A_282 = arith.constant 0 : i32
    %dma_start3A_283 = tpu.memref_slice %arg6[%mul3A_274, %dma_start3A_282] : memref<11264x128xf32, #tpu.memory_space<hbm>> -> memref<88x128xf32, #tpu.memory_space<hbm>>
    %dma_start3A_284 = arith.constant 0 : i32
    %dma_start3A_285 = arith.constant 0 : i32
    %dma_start3A_286 = tpu.memref_slice %arg8[%dma_start3A_275, %dma_start3A_284, %dma_start3A_285] : memref<8x88x128xf32, #tpu.memory_space<vmem>> -> memref<1x88x128xf32, #tpu.memory_space<vmem>>
    %dma_start3A_287 = tpu.memref_squeeze %dma_start3A_286 : memref<1x88x128xf32, #tpu.memory_space<vmem>> -> memref<88x128xf32, #tpu.memory_space<vmem>>
    tpu.enqueue_dma source(%dma_start3A_287 : memref<88x128xf32, #tpu.memory_space<vmem>>) target(%dma_start3A_283 : memref<88x128xf32, #tpu.memory_space<hbm>>) target_semaphore(%arg10 : memref<!tpu.dma_semaphore, #tpu.memory_space<semaphore_mem>>)
    %mul3A_288 = arith.constant 4 : i32
    %mul3A_289 = arith.muli %add3A, %mul3A_288 : i32
    %add3A_290 = arith.constant 1 : i32
    %add3A_291 = arith.addi %mul3A_289, %add3A_290 : i32
    %mul3A_292 = arith.constant 88 : i32
    %mul3A_293 = arith.muli %add3A_291, %mul3A_292 : i32
    %dma_start3A_294 = arith.constant 5 : i32
    %dma_start3A_295 = arith.constant 0 : i32
    %dma_start3A_296 = arith.constant 0 : i32
    %dma_start3A_297 = tpu.memref_slice %arg8[%dma_start3A_294, %dma_start3A_295, %dma_start3A_296] : memref<8x88x128xf32, #tpu.memory_space<vmem>> -> memref<1x88x128xf32, #tpu.memory_space<vmem>>
    %dma_start3A_298 = tpu.memref_squeeze %dma_start3A_297 : memref<1x88x128xf32, #tpu.memory_space<vmem>> -> memref<88x128xf32, #tpu.memory_space<vmem>>
    %dma_start3A_299 = arith.constant 0 : i32
    %dma_start3A_300 = tpu.memref_slice %arg6[%mul3A_293, %dma_start3A_299] : memref<11264x128xf32, #tpu.memory_space<hbm>> -> memref<88x128xf32, #tpu.memory_space<hbm>>
    %dma_start3A_301 = arith.constant 0 : i32
    %dma_start3A_302 = tpu.memref_slice %arg6[%mul3A_293, %dma_start3A_301] : memref<11264x128xf32, #tpu.memory_space<hbm>> -> memref<88x128xf32, #tpu.memory_space<hbm>>
    %dma_start3A_303 = arith.constant 0 : i32
    %dma_start3A_304 = arith.constant 0 : i32
    %dma_start3A_305 = tpu.memref_slice %arg8[%dma_start3A_294, %dma_start3A_303, %dma_start3A_304] : memref<8x88x128xf32, #tpu.memory_space<vmem>> -> memref<1x88x128xf32, #tpu.memory_space<vmem>>
    %dma_start3A_306 = tpu.memref_squeeze %dma_start3A_305 : memref<1x88x128xf32, #tpu.memory_space<vmem>> -> memref<88x128xf32, #tpu.memory_space<vmem>>
    tpu.enqueue_dma source(%dma_start3A_306 : memref<88x128xf32, #tpu.memory_space<vmem>>) target(%dma_start3A_302 : memref<88x128xf32, #tpu.memory_space<hbm>>) target_semaphore(%arg10 : memref<!tpu.dma_semaphore, #tpu.memory_space<semaphore_mem>>)
    %mul3A_307 = arith.constant 4 : i32
    %mul3A_308 = arith.muli %add3A, %mul3A_307 : i32
    %add3A_309 = arith.constant 2 : i32
    %add3A_310 = arith.addi %mul3A_308, %add3A_309 : i32
    %mul3A_311 = arith.constant 88 : i32
    %mul3A_312 = arith.muli %add3A_310, %mul3A_311 : i32
    %dma_start3A_313 = arith.constant 6 : i32
    %dma_start3A_314 = arith.constant 0 : i32
    %dma_start3A_315 = arith.constant 0 : i32
    %dma_start3A_316 = tpu.memref_slice %arg8[%dma_start3A_313, %dma_start3A_314, %dma_start3A_315] : memref<8x88x128xf32, #tpu.memory_space<vmem>> -> memref<1x88x128xf32, #tpu.memory_space<vmem>>
    %dma_start3A_317 = tpu.memref_squeeze %dma_start3A_316 : memref<1x88x128xf32, #tpu.memory_space<vmem>> -> memref<88x128xf32, #tpu.memory_space<vmem>>
    %dma_start3A_318 = arith.constant 0 : i32
    %dma_start3A_319 = tpu.memref_slice %arg6[%mul3A_312, %dma_start3A_318] : memref<11264x128xf32, #tpu.memory_space<hbm>> -> memref<88x128xf32, #tpu.memory_space<hbm>>
    %dma_start3A_320 = arith.constant 0 : i32
    %dma_start3A_321 = tpu.memref_slice %arg6[%mul3A_312, %dma_start3A_320] : memref<11264x128xf32, #tpu.memory_space<hbm>> -> memref<88x128xf32, #tpu.memory_space<hbm>>
    %dma_start3A_322 = arith.constant 0 : i32
    %dma_start3A_323 = arith.constant 0 : i32
    %dma_start3A_324 = tpu.memref_slice %arg8[%dma_start3A_313, %dma_start3A_322, %dma_start3A_323] : memref<8x88x128xf32, #tpu.memory_space<vmem>> -> memref<1x88x128xf32, #tpu.memory_space<vmem>>
    %dma_start3A_325 = tpu.memref_squeeze %dma_start3A_324 : memref<1x88x128xf32, #tpu.memory_space<vmem>> -> memref<88x128xf32, #tpu.memory_space<vmem>>
    tpu.enqueue_dma source(%dma_start3A_325 : memref<88x128xf32, #tpu.memory_space<vmem>>) target(%dma_start3A_321 : memref<88x128xf32, #tpu.memory_space<hbm>>) target_semaphore(%arg10 : memref<!tpu.dma_semaphore, #tpu.memory_space<semaphore_mem>>)
    %mul3A_326 = arith.constant 4 : i32
    %mul3A_327 = arith.muli %add3A, %mul3A_326 : i32
    %add3A_328 = arith.constant 3 : i32
    %add3A_329 = arith.addi %mul3A_327, %add3A_328 : i32
    %mul3A_330 = arith.constant 88 : i32
    %mul3A_331 = arith.muli %add3A_329, %mul3A_330 : i32
    %dma_start3A_332 = arith.constant 7 : i32
    %dma_start3A_333 = arith.constant 0 : i32
    %dma_start3A_334 = arith.constant 0 : i32
    %dma_start3A_335 = tpu.memref_slice %arg8[%dma_start3A_332, %dma_start3A_333, %dma_start3A_334] : memref<8x88x128xf32, #tpu.memory_space<vmem>> -> memref<1x88x128xf32, #tpu.memory_space<vmem>>
    %dma_start3A_336 = tpu.memref_squeeze %dma_start3A_335 : memref<1x88x128xf32, #tpu.memory_space<vmem>> -> memref<88x128xf32, #tpu.memory_space<vmem>>
    %dma_start3A_337 = arith.constant 0 : i32
    %dma_start3A_338 = tpu.memref_slice %arg6[%mul3A_331, %dma_start3A_337] : memref<11264x128xf32, #tpu.memory_space<hbm>> -> memref<88x128xf32, #tpu.memory_space<hbm>>
    %dma_start3A_339 = arith.constant 0 : i32
    %dma_start3A_340 = tpu.memref_slice %arg6[%mul3A_331, %dma_start3A_339] : memref<11264x128xf32, #tpu.memory_space<hbm>> -> memref<88x128xf32, #tpu.memory_space<hbm>>
    %dma_start3A_341 = arith.constant 0 : i32
    %dma_start3A_342 = arith.constant 0 : i32
    %dma_start3A_343 = tpu.memref_slice %arg8[%dma_start3A_332, %dma_start3A_341, %dma_start3A_342] : memref<8x88x128xf32, #tpu.memory_space<vmem>> -> memref<1x88x128xf32, #tpu.memory_space<vmem>>
    %dma_start3A_344 = tpu.memref_squeeze %dma_start3A_343 : memref<1x88x128xf32, #tpu.memory_space<vmem>> -> memref<88x128xf32, #tpu.memory_space<vmem>>
    tpu.enqueue_dma source(%dma_start3A_344 : memref<88x128xf32, #tpu.memory_space<vmem>>) target(%dma_start3A_340 : memref<88x128xf32, #tpu.memory_space<hbm>>) target_semaphore(%arg10 : memref<!tpu.dma_semaphore, #tpu.memory_space<semaphore_mem>>)
    %dma_wait3A_345 = arith.constant 0 : i32
    %dma_wait3A_346 = arith.constant 0 : i32
    %dma_wait3A_347 = arith.constant 0 : i32
    %dma_wait3A_348 = tpu.memref_slice %arg8[%dma_wait3A_345, %dma_wait3A_346, %dma_wait3A_347] : memref<8x88x128xf32, #tpu.memory_space<vmem>> -> memref<1x88x128xf32, #tpu.memory_space<vmem>>
    %dma_wait3A_349 = tpu.memref_squeeze %dma_wait3A_348 : memref<1x88x128xf32, #tpu.memory_space<vmem>> -> memref<88x128xf32, #tpu.memory_space<vmem>>
    %dma_wait3A_350 = arith.constant 0 : i32
    %dma_wait3A_351 = tpu.memref_slice %arg5[%mul3A_198, %dma_wait3A_350] : memref<11264x128xf32, #tpu.memory_space<hbm>> -> memref<88x128xf32, #tpu.memory_space<hbm>>
    %dma_wait3A_352 = arith.constant 0 : i32
    %dma_wait3A_353 = tpu.memref_slice %arg5[%mul3A_198, %dma_wait3A_352] : memref<11264x128xf32, #tpu.memory_space<hbm>> -> memref<88x128xf32, #tpu.memory_space<hbm>>
    %dma_wait3A_354 = arith.constant 0 : i32
    %dma_wait3A_355 = arith.constant 0 : i32
    %dma_wait3A_356 = tpu.memref_slice %arg8[%dma_wait3A_345, %dma_wait3A_354, %dma_wait3A_355] : memref<8x88x128xf32, #tpu.memory_space<vmem>> -> memref<1x88x128xf32, #tpu.memory_space<vmem>>
    %dma_wait3A_357 = tpu.memref_squeeze %dma_wait3A_356 : memref<1x88x128xf32, #tpu.memory_space<vmem>> -> memref<88x128xf32, #tpu.memory_space<vmem>>
    tpu.wait_dma2 semaphore(%arg10 : memref<!tpu.dma_semaphore, #tpu.memory_space<semaphore_mem>>) src(%dma_wait3A_357 : memref<88x128xf32, #tpu.memory_space<vmem>>) dst(%dma_wait3A_353 : memref<88x128xf32, #tpu.memory_space<hbm>>)
    %dma_wait3A_358 = arith.constant 1 : i32
    %dma_wait3A_359 = arith.constant 0 : i32
    %dma_wait3A_360 = arith.constant 0 : i32
    %dma_wait3A_361 = tpu.memref_slice %arg8[%dma_wait3A_358, %dma_wait3A_359, %dma_wait3A_360] : memref<8x88x128xf32, #tpu.memory_space<vmem>> -> memref<1x88x128xf32, #tpu.memory_space<vmem>>
    %dma_wait3A_362 = tpu.memref_squeeze %dma_wait3A_361 : memref<1x88x128xf32, #tpu.memory_space<vmem>> -> memref<88x128xf32, #tpu.memory_space<vmem>>
    %dma_wait3A_363 = arith.constant 0 : i32
    %dma_wait3A_364 = tpu.memref_slice %arg5[%mul3A_217, %dma_wait3A_363] : memref<11264x128xf32, #tpu.memory_space<hbm>> -> memref<88x128xf32, #tpu.memory_space<hbm>>
    %dma_wait3A_365 = arith.constant 0 : i32
    %dma_wait3A_366 = tpu.memref_slice %arg5[%mul3A_217, %dma_wait3A_365] : memref<11264x128xf32, #tpu.memory_space<hbm>> -> memref<88x128xf32, #tpu.memory_space<hbm>>
    %dma_wait3A_367 = arith.constant 0 : i32
    %dma_wait3A_368 = arith.constant 0 : i32
    %dma_wait3A_369 = tpu.memref_slice %arg8[%dma_wait3A_358, %dma_wait3A_367, %dma_wait3A_368] : memref<8x88x128xf32, #tpu.memory_space<vmem>> -> memref<1x88x128xf32, #tpu.memory_space<vmem>>
    %dma_wait3A_370 = tpu.memref_squeeze %dma_wait3A_369 : memref<1x88x128xf32, #tpu.memory_space<vmem>> -> memref<88x128xf32, #tpu.memory_space<vmem>>
    tpu.wait_dma2 semaphore(%arg10 : memref<!tpu.dma_semaphore, #tpu.memory_space<semaphore_mem>>) src(%dma_wait3A_370 : memref<88x128xf32, #tpu.memory_space<vmem>>) dst(%dma_wait3A_366 : memref<88x128xf32, #tpu.memory_space<hbm>>)
    %dma_wait3A_371 = arith.constant 2 : i32
    %dma_wait3A_372 = arith.constant 0 : i32
    %dma_wait3A_373 = arith.constant 0 : i32
    %dma_wait3A_374 = tpu.memref_slice %arg8[%dma_wait3A_371, %dma_wait3A_372, %dma_wait3A_373] : memref<8x88x128xf32, #tpu.memory_space<vmem>> -> memref<1x88x128xf32, #tpu.memory_space<vmem>>
    %dma_wait3A_375 = tpu.memref_squeeze %dma_wait3A_374 : memref<1x88x128xf32, #tpu.memory_space<vmem>> -> memref<88x128xf32, #tpu.memory_space<vmem>>
    %dma_wait3A_376 = arith.constant 0 : i32
    %dma_wait3A_377 = tpu.memref_slice %arg5[%mul3A_236, %dma_wait3A_376] : memref<11264x128xf32, #tpu.memory_space<hbm>> -> memref<88x128xf32, #tpu.memory_space<hbm>>
    %dma_wait3A_378 = arith.constant 0 : i32
    %dma_wait3A_379 = tpu.memref_slice %arg5[%mul3A_236, %dma_wait3A_378] : memref<11264x128xf32, #tpu.memory_space<hbm>> -> memref<88x128xf32, #tpu.memory_space<hbm>>
    %dma_wait3A_380 = arith.constant 0 : i32
    %dma_wait3A_381 = arith.constant 0 : i32
    %dma_wait3A_382 = tpu.memref_slice %arg8[%dma_wait3A_371, %dma_wait3A_380, %dma_wait3A_381] : memref<8x88x128xf32, #tpu.memory_space<vmem>> -> memref<1x88x128xf32, #tpu.memory_space<vmem>>
    %dma_wait3A_383 = tpu.memref_squeeze %dma_wait3A_382 : memref<1x88x128xf32, #tpu.memory_space<vmem>> -> memref<88x128xf32, #tpu.memory_space<vmem>>
    tpu.wait_dma2 semaphore(%arg10 : memref<!tpu.dma_semaphore, #tpu.memory_space<semaphore_mem>>) src(%dma_wait3A_383 : memref<88x128xf32, #tpu.memory_space<vmem>>) dst(%dma_wait3A_379 : memref<88x128xf32, #tpu.memory_space<hbm>>)
    %dma_wait3A_384 = arith.constant 3 : i32
    %dma_wait3A_385 = arith.constant 0 : i32
    %dma_wait3A_386 = arith.constant 0 : i32
    %dma_wait3A_387 = tpu.memref_slice %arg8[%dma_wait3A_384, %dma_wait3A_385, %dma_wait3A_386] : memref<8x88x128xf32, #tpu.memory_space<vmem>> -> memref<1x88x128xf32, #tpu.memory_space<vmem>>
    %dma_wait3A_388 = tpu.memref_squeeze %dma_wait3A_387 : memref<1x88x128xf32, #tpu.memory_space<vmem>> -> memref<88x128xf32, #tpu.memory_space<vmem>>
    %dma_wait3A_389 = arith.constant 0 : i32
    %dma_wait3A_390 = tpu.memref_slice %arg5[%mul3A_255, %dma_wait3A_389] : memref<11264x128xf32, #tpu.memory_space<hbm>> -> memref<88x128xf32, #tpu.memory_space<hbm>>
    %dma_wait3A_391 = arith.constant 0 : i32
    %dma_wait3A_392 = tpu.memref_slice %arg5[%mul3A_255, %dma_wait3A_391] : memref<11264x128xf32, #tpu.memory_space<hbm>> -> memref<88x128xf32, #tpu.memory_space<hbm>>
    %dma_wait3A_393 = arith.constant 0 : i32
    %dma_wait3A_394 = arith.constant 0 : i32
    %dma_wait3A_395 = tpu.memref_slice %arg8[%dma_wait3A_384, %dma_wait3A_393, %dma_wait3A_394] : memref<8x88x128xf32, #tpu.memory_space<vmem>> -> memref<1x88x128xf32, #tpu.memory_space<vmem>>
    %dma_wait3A_396 = tpu.memref_squeeze %dma_wait3A_395 : memref<1x88x128xf32, #tpu.memory_space<vmem>> -> memref<88x128xf32, #tpu.memory_space<vmem>>
    tpu.wait_dma2 semaphore(%arg10 : memref<!tpu.dma_semaphore, #tpu.memory_space<semaphore_mem>>) src(%dma_wait3A_396 : memref<88x128xf32, #tpu.memory_space<vmem>>) dst(%dma_wait3A_392 : memref<88x128xf32, #tpu.memory_space<hbm>>)
    %dma_wait3A_397 = arith.constant 4 : i32
    %dma_wait3A_398 = arith.constant 0 : i32
    %dma_wait3A_399 = arith.constant 0 : i32
    %dma_wait3A_400 = tpu.memref_slice %arg8[%dma_wait3A_397, %dma_wait3A_398, %dma_wait3A_399] : memref<8x88x128xf32, #tpu.memory_space<vmem>> -> memref<1x88x128xf32, #tpu.memory_space<vmem>>
    %dma_wait3A_401 = tpu.memref_squeeze %dma_wait3A_400 : memref<1x88x128xf32, #tpu.memory_space<vmem>> -> memref<88x128xf32, #tpu.memory_space<vmem>>
    %dma_wait3A_402 = arith.constant 0 : i32
    %dma_wait3A_403 = tpu.memref_slice %arg6[%mul3A_274, %dma_wait3A_402] : memref<11264x128xf32, #tpu.memory_space<hbm>> -> memref<88x128xf32, #tpu.memory_space<hbm>>
    %dma_wait3A_404 = arith.constant 0 : i32
    %dma_wait3A_405 = tpu.memref_slice %arg6[%mul3A_274, %dma_wait3A_404] : memref<11264x128xf32, #tpu.memory_space<hbm>> -> memref<88x128xf32, #tpu.memory_space<hbm>>
    %dma_wait3A_406 = arith.constant 0 : i32
    %dma_wait3A_407 = arith.constant 0 : i32
    %dma_wait3A_408 = tpu.memref_slice %arg8[%dma_wait3A_397, %dma_wait3A_406, %dma_wait3A_407] : memref<8x88x128xf32, #tpu.memory_space<vmem>> -> memref<1x88x128xf32, #tpu.memory_space<vmem>>
    %dma_wait3A_409 = tpu.memref_squeeze %dma_wait3A_408 : memref<1x88x128xf32, #tpu.memory_space<vmem>> -> memref<88x128xf32, #tpu.memory_space<vmem>>
    tpu.wait_dma2 semaphore(%arg10 : memref<!tpu.dma_semaphore, #tpu.memory_space<semaphore_mem>>) src(%dma_wait3A_409 : memref<88x128xf32, #tpu.memory_space<vmem>>) dst(%dma_wait3A_405 : memref<88x128xf32, #tpu.memory_space<hbm>>)
    %dma_wait3A_410 = arith.constant 5 : i32
    %dma_wait3A_411 = arith.constant 0 : i32
    %dma_wait3A_412 = arith.constant 0 : i32
    %dma_wait3A_413 = tpu.memref_slice %arg8[%dma_wait3A_410, %dma_wait3A_411, %dma_wait3A_412] : memref<8x88x128xf32, #tpu.memory_space<vmem>> -> memref<1x88x128xf32, #tpu.memory_space<vmem>>
    %dma_wait3A_414 = tpu.memref_squeeze %dma_wait3A_413 : memref<1x88x128xf32, #tpu.memory_space<vmem>> -> memref<88x128xf32, #tpu.memory_space<vmem>>
    %dma_wait3A_415 = arith.constant 0 : i32
    %dma_wait3A_416 = tpu.memref_slice %arg6[%mul3A_293, %dma_wait3A_415] : memref<11264x128xf32, #tpu.memory_space<hbm>> -> memref<88x128xf32, #tpu.memory_space<hbm>>
    %dma_wait3A_417 = arith.constant 0 : i32
    %dma_wait3A_418 = tpu.memref_slice %arg6[%mul3A_293, %dma_wait3A_417] : memref<11264x128xf32, #tpu.memory_space<hbm>> -> memref<88x128xf32, #tpu.memory_space<hbm>>
    %dma_wait3A_419 = arith.constant 0 : i32
    %dma_wait3A_420 = arith.constant 0 : i32
    %dma_wait3A_421 = tpu.memref_slice %arg8[%dma_wait3A_410, %dma_wait3A_419, %dma_wait3A_420] : memref<8x88x128xf32, #tpu.memory_space<vmem>> -> memref<1x88x128xf32, #tpu.memory_space<vmem>>
    %dma_wait3A_422 = tpu.memref_squeeze %dma_wait3A_421 : memref<1x88x128xf32, #tpu.memory_space<vmem>> -> memref<88x128xf32, #tpu.memory_space<vmem>>
    tpu.wait_dma2 semaphore(%arg10 : memref<!tpu.dma_semaphore, #tpu.memory_space<semaphore_mem>>) src(%dma_wait3A_422 : memref<88x128xf32, #tpu.memory_space<vmem>>) dst(%dma_wait3A_418 : memref<88x128xf32, #tpu.memory_space<hbm>>)
    %dma_wait3A_423 = arith.constant 6 : i32
    %dma_wait3A_424 = arith.constant 0 : i32
    %dma_wait3A_425 = arith.constant 0 : i32
    %dma_wait3A_426 = tpu.memref_slice %arg8[%dma_wait3A_423, %dma_wait3A_424, %dma_wait3A_425] : memref<8x88x128xf32, #tpu.memory_space<vmem>> -> memref<1x88x128xf32, #tpu.memory_space<vmem>>
    %dma_wait3A_427 = tpu.memref_squeeze %dma_wait3A_426 : memref<1x88x128xf32, #tpu.memory_space<vmem>> -> memref<88x128xf32, #tpu.memory_space<vmem>>
    %dma_wait3A_428 = arith.constant 0 : i32
    %dma_wait3A_429 = tpu.memref_slice %arg6[%mul3A_312, %dma_wait3A_428] : memref<11264x128xf32, #tpu.memory_space<hbm>> -> memref<88x128xf32, #tpu.memory_space<hbm>>
    %dma_wait3A_430 = arith.constant 0 : i32
    %dma_wait3A_431 = tpu.memref_slice %arg6[%mul3A_312, %dma_wait3A_430] : memref<11264x128xf32, #tpu.memory_space<hbm>> -> memref<88x128xf32, #tpu.memory_space<hbm>>
    %dma_wait3A_432 = arith.constant 0 : i32
    %dma_wait3A_433 = arith.constant 0 : i32
    %dma_wait3A_434 = tpu.memref_slice %arg8[%dma_wait3A_423, %dma_wait3A_432, %dma_wait3A_433] : memref<8x88x128xf32, #tpu.memory_space<vmem>> -> memref<1x88x128xf32, #tpu.memory_space<vmem>>
    %dma_wait3A_435 = tpu.memref_squeeze %dma_wait3A_434 : memref<1x88x128xf32, #tpu.memory_space<vmem>> -> memref<88x128xf32, #tpu.memory_space<vmem>>
    tpu.wait_dma2 semaphore(%arg10 : memref<!tpu.dma_semaphore, #tpu.memory_space<semaphore_mem>>) src(%dma_wait3A_435 : memref<88x128xf32, #tpu.memory_space<vmem>>) dst(%dma_wait3A_431 : memref<88x128xf32, #tpu.memory_space<hbm>>)
    %dma_wait3A_436 = arith.constant 7 : i32
    %dma_wait3A_437 = arith.constant 0 : i32
    %dma_wait3A_438 = arith.constant 0 : i32
    %dma_wait3A_439 = tpu.memref_slice %arg8[%dma_wait3A_436, %dma_wait3A_437, %dma_wait3A_438] : memref<8x88x128xf32, #tpu.memory_space<vmem>> -> memref<1x88x128xf32, #tpu.memory_space<vmem>>
    %dma_wait3A_440 = tpu.memref_squeeze %dma_wait3A_439 : memref<1x88x128xf32, #tpu.memory_space<vmem>> -> memref<88x128xf32, #tpu.memory_space<vmem>>
    %dma_wait3A_441 = arith.constant 0 : i32
    %dma_wait3A_442 = tpu.memref_slice %arg6[%mul3A_331, %dma_wait3A_441] : memref<11264x128xf32, #tpu.memory_space<hbm>> -> memref<88x128xf32, #tpu.memory_space<hbm>>
    %dma_wait3A_443 = arith.constant 0 : i32
    %dma_wait3A_444 = tpu.memref_slice %arg6[%mul3A_331, %dma_wait3A_443] : memref<11264x128xf32, #tpu.memory_space<hbm>> -> memref<88x128xf32, #tpu.memory_space<hbm>>
    %dma_wait3A_445 = arith.constant 0 : i32
    %dma_wait3A_446 = arith.constant 0 : i32
    %dma_wait3A_447 = tpu.memref_slice %arg8[%dma_wait3A_436, %dma_wait3A_445, %dma_wait3A_446] : memref<8x88x128xf32, #tpu.memory_space<vmem>> -> memref<1x88x128xf32, #tpu.memory_space<vmem>>
    %dma_wait3A_448 = tpu.memref_squeeze %dma_wait3A_447 : memref<1x88x128xf32, #tpu.memory_space<vmem>> -> memref<88x128xf32, #tpu.memory_space<vmem>>
    tpu.wait_dma2 semaphore(%arg10 : memref<!tpu.dma_semaphore, #tpu.memory_space<semaphore_mem>>) src(%dma_wait3A_448 : memref<88x128xf32, #tpu.memory_space<vmem>>) dst(%dma_wait3A_444 : memref<88x128xf32, #tpu.memory_space<hbm>>)
    return
  }
}

module attributes {stable_mosaic.version = 14 : i64} {
  func.func @_score_body(%arg0: i32, %arg1: i32, %arg2: memref<1x2048x1664xf32, #tpu.memory_space<vmem>>, %arg3: memref<1x1x704xi32, #tpu.memory_space<vmem>>, %arg4: memref<8x88xi32, #tpu.memory_space<vmem>>, %arg5: memref<1x1664xf32, #tpu.memory_space<vmem>>) attributes {dimension_semantics = [#tpu.dimension_semantics<arbitrary>, #tpu.dimension_semantics<arbitrary>], iteration_bounds = array<i64: 16, 1>, scalar_prefetch = 0 : i64, scratch_operands = 1 : i64, tpu.core_type = #tpu.core_type<tc>, window_params = [{transform_indices = @transform_0, window_bounds = array<i64: 1, 2048, 1664>}, {transform_indices = @transform_1, window_bounds = array<i64: 1, 1, 704>}, {transform_indices = @transform_2, window_bounds = array<i64: 8, 88>}]} {
    %get3A = arith.constant 0 : index
    %get3A_0 = arith.constant 0 : index
    %get3A_1 = arith.constant 0 : index
    %get3A_2 = vector.load %arg2[%get3A, %get3A_0, %get3A_1] : memref<1x2048x1664xf32, #tpu.memory_space<vmem>>, vector<1x2048x1664xf32>
    %get3A_3 = vector.shape_cast %get3A_2 : vector<1x2048x1664xf32> to vector<2048x1664xf32>
    %reduce_sum3A = arith.constant dense<0.000000e+00> : vector<1664xf32>
    %reduce_sum3A_4 = vector.multi_reduction <add>, %get3A_3, %reduce_sum3A [0] : vector<2048x1664xf32> to vector<1664xf32>
    %broadcast_in_dim3A = vector.shape_cast %reduce_sum3A_4 : vector<1664xf32> to vector<1x1664xf32>
    %iota3A = tpu.iota {dimensions = array<i32: 0>} : vector<1664x24xi32>
    %iota3A_5 = tpu.iota {dimensions = array<i32: 1>} : vector<1664x24xi32>
    %ge3A = arith.constant 5 : i32
    %ge3A_6 = vector.broadcast %ge3A : i32 to vector<1664x24xi32>
    %ge3A_7 = arith.cmpi sge, %iota3A, %ge3A_6 : vector<1664x24xi32>
    %lt3A = arith.constant 1541 : i32
    %lt3A_8 = vector.broadcast %lt3A : i32 to vector<1664x24xi32>
    %lt3A_9 = arith.cmpi slt, %iota3A, %lt3A_8 : vector<1664x24xi32>
    %and3A = arith.andi %ge3A_7, %lt3A_9 : vector<1664x24xi1>
    %sub3A = arith.constant 5 : i32
    %sub3A_10 = vector.broadcast %sub3A : i32 to vector<1664x24xi32>
    %sub3A_11 = arith.subi %iota3A, %sub3A_10 : vector<1664x24xi32>
    %jit3A = arith.constant 64 : i32
    %div3A = vector.broadcast %jit3A : i32 to vector<1664x24xi32>
    %div3A_12 = arith.divsi %sub3A_11, %div3A : vector<1664x24xi32>
    %sign3A = arith.constant 0 : i32
    %sign3A_13 = vector.broadcast %sign3A : i32 to vector<1664x24xi32>
    %sign3A_14 = arith.cmpi sgt, %sub3A_11, %sign3A_13 : vector<1664x24xi32>
    %sign3A_15 = arith.extui %sign3A_14 : vector<1664x24xi1> to vector<1664x24xi32>
    %sign3A_16 = arith.constant 0 : i32
    %sign3A_17 = vector.broadcast %sign3A_16 : i32 to vector<1664x24xi32>
    %sign3A_18 = arith.cmpi slt, %sub3A_11, %sign3A_17 : vector<1664x24xi32>
    %sign3A_19 = arith.extui %sign3A_18 : vector<1664x24xi1> to vector<1664x24xi32>
    %sign3A_20 = arith.subi %sign3A_15, %sign3A_19 : vector<1664x24xi32>
    %sign3A_21 = arith.constant 0 : i32
    %sign3A_22 = arith.cmpi sgt, %jit3A, %sign3A_21 : i32
    %sign3A_23 = arith.extui %sign3A_22 : i1 to i32
    %sign3A_24 = arith.constant 0 : i32
    %sign3A_25 = arith.cmpi slt, %jit3A, %sign3A_24 : i32
    %sign3A_26 = arith.extui %sign3A_25 : i1 to i32
    %sign3A_27 = arith.subi %sign3A_23, %sign3A_26 : i32
    %ne3A = vector.broadcast %sign3A_27 : i32 to vector<1664x24xi32>
    %ne3A_28 = arith.cmpi ne, %sign3A_20, %ne3A : vector<1664x24xi32>
    %rem3A = vector.broadcast %jit3A : i32 to vector<1664x24xi32>
    %rem3A_29 = arith.remsi %sub3A_11, %rem3A : vector<1664x24xi32>
    %ne3A_30 = arith.constant 0 : i32
    %ne3A_31 = vector.broadcast %ne3A_30 : i32 to vector<1664x24xi32>
    %ne3A_32 = arith.cmpi ne, %rem3A_29, %ne3A_31 : vector<1664x24xi32>
    %and3A_33 = arith.andi %ne3A_28, %ne3A_32 : vector<1664x24xi1>
    %sub3A_34 = arith.constant 1 : i32
    %sub3A_35 = vector.broadcast %sub3A_34 : i32 to vector<1664x24xi32>
    %sub3A_36 = arith.subi %div3A_12, %sub3A_35 : vector<1664x24xi32>
    %select_n3A = arith.select %and3A_33, %sub3A_36, %div3A_12 : vector<1664x24xi1>, vector<1664x24xi32>
    %eq3A = arith.cmpi eq, %select_n3A, %iota3A_5 : vector<1664x24xi32>
    %and3A_37 = arith.andi %and3A, %eq3A : vector<1664x24xi1>
    %convert_element_type3A = arith.extui %and3A_37 : vector<1664x24xi1> to vector<1664x24xi32>
    %convert_element_type3A_38 = arith.sitofp %convert_element_type3A : vector<1664x24xi32> to vector<1664x24xf32>
    %dot_general3A = arith.constant dense<0.000000e+00> : vector<1x24xf32>
    %dot_general3A_39 = tpu.matmul %broadcast_in_dim3A, %convert_element_type3A_38, %dot_general3A {dimension_numbers = #tpu.dot_dimension_numbers<[1], [0], [0], [1], [0, 0, 1, 1], [], []>, precision = #tpu.contract_precision<fp32>, transpose_lhs_hint = false} : vector<1x1664xf32>, vector<1664x24xf32>, vector<1x24xf32> -> vector<1x24xf32>
    %iota3A_40 = tpu.iota {dimensions = array<i32: 1>} : vector<1x24xi32>
    %reduce_max3A = arith.constant dense<0xFF800000> : vector<1xf32>
    %reduce_max3A_41 = vector.multi_reduction <maximumf>, %dot_general3A_39, %reduce_max3A [1] : vector<1x24xf32> to vector<1xf32>
    %broadcast_in_dim3A_42 = vector.shape_cast %reduce_max3A_41 : vector<1xf32> to vector<1x1xf32>
    %eq3A_43 = vector.broadcast %broadcast_in_dim3A_42 : vector<1x1xf32> to vector<1x24xf32>
    %eq3A_44 = arith.cmpf oeq, %dot_general3A_39, %eq3A_43 : vector<1x24xf32>
    %jit3A_45 = arith.constant 24 : i32
    %broadcast_in_dim3A_46 = vector.broadcast %jit3A_45 : i32 to vector<1x24xi32>
    %select_n3A_47 = arith.select %eq3A_44, %iota3A_40, %broadcast_in_dim3A_46 : vector<1x24xi1>, vector<1x24xi32>
    %reduce_min3A = arith.constant dense<2147483647> : vector<1xi32>
    %reduce_min3A_48 = vector.multi_reduction <minsi>, %select_n3A_47, %reduce_min3A [1] : vector<1x24xi32> to vector<1xi32>
    %broadcast_in_dim3A_49 = vector.shape_cast %reduce_min3A_48 : vector<1xi32> to vector<1x1xi32>
    %eq3A_50 = vector.broadcast %broadcast_in_dim3A_49 : vector<1x1xi32> to vector<1x24xi32>
    %eq3A_51 = arith.cmpi eq, %iota3A_40, %eq3A_50 : vector<1x24xi32>
    %jit3A_52 = arith.constant 0xFF800000 : f32
    %broadcast_in_dim3A_53 = vector.broadcast %jit3A_52 : f32 to vector<1x24xf32>
    %select_n3A_54 = arith.select %eq3A_51, %broadcast_in_dim3A_53, %dot_general3A_39 : vector<1x24xi1>, vector<1x24xf32>
    %reduce_max3A_55 = arith.constant dense<0xFF800000> : vector<1xf32>
    %reduce_max3A_56 = vector.multi_reduction <maximumf>, %select_n3A_54, %reduce_max3A_55 [1] : vector<1x24xf32> to vector<1xf32>
    %broadcast_in_dim3A_57 = vector.shape_cast %reduce_max3A_56 : vector<1xf32> to vector<1x1xf32>
    %eq3A_58 = vector.broadcast %broadcast_in_dim3A_57 : vector<1x1xf32> to vector<1x24xf32>
    %eq3A_59 = arith.cmpf oeq, %select_n3A_54, %eq3A_58 : vector<1x24xf32>
    %jit3A_60 = arith.constant 24 : i32
    %broadcast_in_dim3A_61 = vector.broadcast %jit3A_60 : i32 to vector<1x24xi32>
    %select_n3A_62 = arith.select %eq3A_59, %iota3A_40, %broadcast_in_dim3A_61 : vector<1x24xi1>, vector<1x24xi32>
    %reduce_min3A_63 = arith.constant dense<2147483647> : vector<1xi32>
    %reduce_min3A_64 = vector.multi_reduction <minsi>, %select_n3A_62, %reduce_min3A_63 [1] : vector<1x24xi32> to vector<1xi32>
    %broadcast_in_dim3A_65 = vector.shape_cast %reduce_min3A_64 : vector<1xi32> to vector<1x1xi32>
    %eq3A_66 = vector.broadcast %broadcast_in_dim3A_65 : vector<1x1xi32> to vector<1x24xi32>
    %eq3A_67 = arith.cmpi eq, %iota3A_40, %eq3A_66 : vector<1x24xi32>
    %jit3A_68 = arith.constant 0xFF800000 : f32
    %broadcast_in_dim3A_69 = vector.broadcast %jit3A_68 : f32 to vector<1x24xf32>
    %select_n3A_70 = arith.select %eq3A_67, %broadcast_in_dim3A_69, %select_n3A_54 : vector<1x24xi1>, vector<1x24xf32>
    %reduce_max3A_71 = arith.constant dense<0xFF800000> : vector<1xf32>
    %reduce_max3A_72 = vector.multi_reduction <maximumf>, %select_n3A_70, %reduce_max3A_71 [1] : vector<1x24xf32> to vector<1xf32>
    %broadcast_in_dim3A_73 = vector.shape_cast %reduce_max3A_72 : vector<1xf32> to vector<1x1xf32>
    %eq3A_74 = vector.broadcast %broadcast_in_dim3A_73 : vector<1x1xf32> to vector<1x24xf32>
    %eq3A_75 = arith.cmpf oeq, %select_n3A_70, %eq3A_74 : vector<1x24xf32>
    %jit3A_76 = arith.constant 24 : i32
    %broadcast_in_dim3A_77 = vector.broadcast %jit3A_76 : i32 to vector<1x24xi32>
    %select_n3A_78 = arith.select %eq3A_75, %iota3A_40, %broadcast_in_dim3A_77 : vector<1x24xi1>, vector<1x24xi32>
    %reduce_min3A_79 = arith.constant dense<2147483647> : vector<1xi32>
    %reduce_min3A_80 = vector.multi_reduction <minsi>, %select_n3A_78, %reduce_min3A_79 [1] : vector<1x24xi32> to vector<1xi32>
    %broadcast_in_dim3A_81 = vector.shape_cast %reduce_min3A_80 : vector<1xi32> to vector<1x1xi32>
    %min3A = arith.minsi %broadcast_in_dim3A_49, %broadcast_in_dim3A_65 : vector<1x1xi32>
    %min3A_82 = arith.minsi %min3A, %broadcast_in_dim3A_81 : vector<1x1xi32>
    %max3A = arith.maxsi %broadcast_in_dim3A_49, %broadcast_in_dim3A_65 : vector<1x1xi32>
    %max3A_83 = arith.maxsi %max3A, %broadcast_in_dim3A_81 : vector<1x1xi32>
    %add3A = arith.addi %broadcast_in_dim3A_49, %broadcast_in_dim3A_65 : vector<1x1xi32>
    %add3A_84 = arith.addi %add3A, %broadcast_in_dim3A_81 : vector<1x1xi32>
    %sub3A_85 = arith.subi %add3A_84, %min3A_82 : vector<1x1xi32>
    %sub3A_86 = arith.subi %sub3A_85, %max3A_83 : vector<1x1xi32>
    %iota3A_87 = tpu.iota {dimensions = array<i32: 1>} : vector<1x704xi32>
    %sub3A_88 = arith.constant 5 : i32
    %sub3A_89 = vector.broadcast %sub3A_88 : i32 to vector<1x704xi32>
    %sub3A_90 = arith.subi %iota3A_87, %sub3A_89 : vector<1x704xi32>
    %jit3A_91 = arith.constant 64 : i32
    %div3A_92 = vector.broadcast %jit3A_91 : i32 to vector<1x704xi32>
    %div3A_93 = arith.divsi %sub3A_90, %div3A_92 : vector<1x704xi32>
    %sign3A_94 = arith.constant 0 : i32
    %sign3A_95 = vector.broadcast %sign3A_94 : i32 to vector<1x704xi32>
    %sign3A_96 = arith.cmpi sgt, %sub3A_90, %sign3A_95 : vector<1x704xi32>
    %sign3A_97 = arith.extui %sign3A_96 : vector<1x704xi1> to vector<1x704xi32>
    %sign3A_98 = arith.constant 0 : i32
    %sign3A_99 = vector.broadcast %sign3A_98 : i32 to vector<1x704xi32>
    %sign3A_100 = arith.cmpi slt, %sub3A_90, %sign3A_99 : vector<1x704xi32>
    %sign3A_101 = arith.extui %sign3A_100 : vector<1x704xi1> to vector<1x704xi32>
    %sign3A_102 = arith.subi %sign3A_97, %sign3A_101 : vector<1x704xi32>
    %sign3A_103 = arith.constant 0 : i32
    %sign3A_104 = arith.cmpi sgt, %jit3A_91, %sign3A_103 : i32
    %sign3A_105 = arith.extui %sign3A_104 : i1 to i32
    %sign3A_106 = arith.constant 0 : i32
    %sign3A_107 = arith.cmpi slt, %jit3A_91, %sign3A_106 : i32
    %sign3A_108 = arith.extui %sign3A_107 : i1 to i32
    %sign3A_109 = arith.subi %sign3A_105, %sign3A_108 : i32
    %ne3A_110 = vector.broadcast %sign3A_109 : i32 to vector<1x704xi32>
    %ne3A_111 = arith.cmpi ne, %sign3A_102, %ne3A_110 : vector<1x704xi32>
    %rem3A_112 = vector.broadcast %jit3A_91 : i32 to vector<1x704xi32>
    %rem3A_113 = arith.remsi %sub3A_90, %rem3A_112 : vector<1x704xi32>
    %ne3A_114 = arith.constant 0 : i32
    %ne3A_115 = vector.broadcast %ne3A_114 : i32 to vector<1x704xi32>
    %ne3A_116 = arith.cmpi ne, %rem3A_113, %ne3A_115 : vector<1x704xi32>
    %and3A_117 = arith.andi %ne3A_111, %ne3A_116 : vector<1x704xi1>
    %sub3A_118 = arith.constant 1 : i32
    %sub3A_119 = vector.broadcast %sub3A_118 : i32 to vector<1x704xi32>
    %sub3A_120 = arith.subi %div3A_93, %sub3A_119 : vector<1x704xi32>
    %select_n3A_121 = arith.select %and3A_117, %sub3A_120, %div3A_93 : vector<1x704xi1>, vector<1x704xi32>
    %mul3A = arith.constant 64 : i32
    %mul3A_122 = vector.broadcast %mul3A : i32 to vector<1x704xi32>
    %mul3A_123 = arith.muli %select_n3A_121, %mul3A_122 : vector<1x704xi32>
    %sub3A_124 = arith.subi %sub3A_90, %mul3A_123 : vector<1x704xi32>
    %eq3A_125 = arith.constant 0 : i32
    %eq3A_126 = vector.broadcast %eq3A_125 : i32 to vector<1x704xi32>
    %eq3A_127 = arith.cmpi eq, %select_n3A_121, %eq3A_126 : vector<1x704xi32>
    %eq3A_128 = arith.constant 1 : i32
    %eq3A_129 = vector.broadcast %eq3A_128 : i32 to vector<1x704xi32>
    %eq3A_130 = arith.cmpi eq, %select_n3A_121, %eq3A_129 : vector<1x704xi32>
    %broadcast_in_dim3A_131 = vector.shape_cast %sub3A_86 : vector<1x1xi32> to vector<1x1xi32>
    %broadcast_in_dim3A_132 = vector.broadcast %broadcast_in_dim3A_131 : vector<1x1xi32> to vector<1x704xi32>
    %broadcast_in_dim3A_133 = vector.shape_cast %max3A_83 : vector<1x1xi32> to vector<1x1xi32>
    %broadcast_in_dim3A_134 = vector.broadcast %broadcast_in_dim3A_133 : vector<1x1xi32> to vector<1x704xi32>
    %select_n3A_135 = arith.select %eq3A_130, %broadcast_in_dim3A_132, %broadcast_in_dim3A_134 : vector<1x704xi1>, vector<1x704xi32>
    %broadcast_in_dim3A_136 = vector.shape_cast %min3A_82 : vector<1x1xi32> to vector<1x1xi32>
    %broadcast_in_dim3A_137 = vector.broadcast %broadcast_in_dim3A_136 : vector<1x1xi32> to vector<1x704xi32>
    %select_n3A_138 = arith.select %eq3A_127, %broadcast_in_dim3A_137, %select_n3A_135 : vector<1x704xi1>, vector<1x704xi32>
    %mul3A_139 = arith.constant 64 : i32
    %mul3A_140 = vector.broadcast %mul3A_139 : i32 to vector<1x704xi32>
    %mul3A_141 = arith.muli %select_n3A_138, %mul3A_140 : vector<1x704xi32>
    %add3A_142 = arith.constant 5 : i32
    %add3A_143 = vector.broadcast %add3A_142 : i32 to vector<1x704xi32>
    %add3A_144 = arith.addi %mul3A_141, %add3A_143 : vector<1x704xi32>
    %add3A_145 = arith.addi %add3A_144, %sub3A_124 : vector<1x704xi32>
    %lt3A_146 = arith.constant 5 : i32
    %lt3A_147 = vector.broadcast %lt3A_146 : i32 to vector<1x704xi32>
    %lt3A_148 = arith.cmpi slt, %iota3A_87, %lt3A_147 : vector<1x704xi32>
    %lt3A_149 = arith.constant 197 : i32
    %lt3A_150 = vector.broadcast %lt3A_149 : i32 to vector<1x704xi32>
    %lt3A_151 = arith.cmpi slt, %iota3A_87, %lt3A_150 : vector<1x704xi32>
    %sub3A_152 = arith.constant 197 : i32
    %sub3A_153 = vector.broadcast %sub3A_152 : i32 to vector<1x704xi32>
    %sub3A_154 = arith.subi %iota3A_87, %sub3A_153 : vector<1x704xi32>
    %add3A_155 = arith.constant 1541 : i32
    %add3A_156 = vector.broadcast %add3A_155 : i32 to vector<1x704xi32>
    %add3A_157 = arith.addi %sub3A_154, %add3A_156 : vector<1x704xi32>
    %select_n3A_158 = arith.select %lt3A_151, %add3A_145, %add3A_157 : vector<1x704xi1>, vector<1x704xi32>
    %select_n3A_159 = arith.select %lt3A_148, %iota3A_87, %select_n3A_158 : vector<1x704xi1>, vector<1x704xi32>
    %broadcast_in_dim3A_160 = vector.shape_cast %select_n3A_159 : vector<1x704xi32> to vector<1x1x704xi32>
    %swap3A = arith.constant 0 : index
    %swap3A_161 = arith.constant 0 : index
    %swap3A_162 = arith.constant 0 : index
    %swap3A_163 = vector.load %arg3[%swap3A, %swap3A_161, %swap3A_162] : memref<1x1x704xi32, #tpu.memory_space<vmem>>, vector<1x1x704xi32>
    tpu.vector_store %arg3[%swap3A, %swap3A_161, %swap3A_162], %broadcast_in_dim3A_160 {strides = array<i32>} : memref<1x1x704xi32, #tpu.memory_space<vmem>>, vector<1x1x704xi32>,
    %iota3A_164 = tpu.iota {dimensions = array<i32: 0>} : vector<8x88xi32>
    %mul3A_165 = arith.constant 88 : i32
    %mul3A_166 = vector.broadcast %mul3A_165 : i32 to vector<8x88xi32>
    %mul3A_167 = arith.muli %iota3A_164, %mul3A_166 : vector<8x88xi32>
    %iota3A_168 = tpu.iota {dimensions = array<i32: 1>} : vector<8x88xi32>
    %add3A_169 = arith.addi %mul3A_167, %iota3A_168 : vector<8x88xi32>
    %sub3A_170 = arith.constant 5 : i32
    %sub3A_171 = vector.broadcast %sub3A_170 : i32 to vector<8x88xi32>
    %sub3A_172 = arith.subi %add3A_169, %sub3A_171 : vector<8x88xi32>
    %jit3A_173 = arith.constant 64 : i32
    %div3A_174 = vector.broadcast %jit3A_173 : i32 to vector<8x88xi32>
    %div3A_175 = arith.divsi %sub3A_172, %div3A_174 : vector<8x88xi32>
    %sign3A_176 = arith.constant 0 : i32
    %sign3A_177 = vector.broadcast %sign3A_176 : i32 to vector<8x88xi32>
    %sign3A_178 = arith.cmpi sgt, %sub3A_172, %sign3A_177 : vector<8x88xi32>
    %sign3A_179 = arith.extui %sign3A_178 : vector<8x88xi1> to vector<8x88xi32>
    %sign3A_180 = arith.constant 0 : i32
    %sign3A_181 = vector.broadcast %sign3A_180 : i32 to vector<8x88xi32>
    %sign3A_182 = arith.cmpi slt, %sub3A_172, %sign3A_181 : vector<8x88xi32>
    %sign3A_183 = arith.extui %sign3A_182 : vector<8x88xi1> to vector<8x88xi32>
    %sign3A_184 = arith.subi %sign3A_179, %sign3A_183 : vector<8x88xi32>
    %sign3A_185 = arith.constant 0 : i32
    %sign3A_186 = arith.cmpi sgt, %jit3A_173, %sign3A_185 : i32
    %sign3A_187 = arith.extui %sign3A_186 : i1 to i32
    %sign3A_188 = arith.constant 0 : i32
    %sign3A_189 = arith.cmpi slt, %jit3A_173, %sign3A_188 : i32
    %sign3A_190 = arith.extui %sign3A_189 : i1 to i32
    %sign3A_191 = arith.subi %sign3A_187, %sign3A_190 : i32
    %ne3A_192 = vector.broadcast %sign3A_191 : i32 to vector<8x88xi32>
    %ne3A_193 = arith.cmpi ne, %sign3A_184, %ne3A_192 : vector<8x88xi32>
    %rem3A_194 = vector.broadcast %jit3A_173 : i32 to vector<8x88xi32>
    %rem3A_195 = arith.remsi %sub3A_172, %rem3A_194 : vector<8x88xi32>
    %ne3A_196 = arith.constant 0 : i32
    %ne3A_197 = vector.broadcast %ne3A_196 : i32 to vector<8x88xi32>
    %ne3A_198 = arith.cmpi ne, %rem3A_195, %ne3A_197 : vector<8x88xi32>
    %and3A_199 = arith.andi %ne3A_193, %ne3A_198 : vector<8x88xi1>
    %sub3A_200 = arith.constant 1 : i32
    %sub3A_201 = vector.broadcast %sub3A_200 : i32 to vector<8x88xi32>
    %sub3A_202 = arith.subi %div3A_175, %sub3A_201 : vector<8x88xi32>
    %select_n3A_203 = arith.select %and3A_199, %sub3A_202, %div3A_175 : vector<8x88xi1>, vector<8x88xi32>
    %mul3A_204 = arith.constant 64 : i32
    %mul3A_205 = vector.broadcast %mul3A_204 : i32 to vector<8x88xi32>
    %mul3A_206 = arith.muli %select_n3A_203, %mul3A_205 : vector<8x88xi32>
    %sub3A_207 = arith.subi %sub3A_172, %mul3A_206 : vector<8x88xi32>
    %eq3A_208 = arith.constant 0 : i32
    %eq3A_209 = vector.broadcast %eq3A_208 : i32 to vector<8x88xi32>
    %eq3A_210 = arith.cmpi eq, %select_n3A_203, %eq3A_209 : vector<8x88xi32>
    %eq3A_211 = arith.constant 1 : i32
    %eq3A_212 = vector.broadcast %eq3A_211 : i32 to vector<8x88xi32>
    %eq3A_213 = arith.cmpi eq, %select_n3A_203, %eq3A_212 : vector<8x88xi32>
    %broadcast_in_dim3A_214 = vector.shape_cast %sub3A_86 : vector<1x1xi32> to vector<1x1xi32>
    %broadcast_in_dim3A_215 = vector.broadcast %broadcast_in_dim3A_214 : vector<1x1xi32> to vector<8x88xi32>
    %broadcast_in_dim3A_216 = vector.shape_cast %max3A_83 : vector<1x1xi32> to vector<1x1xi32>
    %broadcast_in_dim3A_217 = vector.broadcast %broadcast_in_dim3A_216 : vector<1x1xi32> to vector<8x88xi32>
    %select_n3A_218 = arith.select %eq3A_213, %broadcast_in_dim3A_215, %broadcast_in_dim3A_217 : vector<8x88xi1>, vector<8x88xi32>
    %broadcast_in_dim3A_219 = vector.shape_cast %min3A_82 : vector<1x1xi32> to vector<1x1xi32>
    %broadcast_in_dim3A_220 = vector.broadcast %broadcast_in_dim3A_219 : vector<1x1xi32> to vector<8x88xi32>
    %select_n3A_221 = arith.select %eq3A_210, %broadcast_in_dim3A_220, %select_n3A_218 : vector<8x88xi1>, vector<8x88xi32>
    %mul3A_222 = arith.constant 64 : i32
    %mul3A_223 = vector.broadcast %mul3A_222 : i32 to vector<8x88xi32>
    %mul3A_224 = arith.muli %select_n3A_221, %mul3A_223 : vector<8x88xi32>
    %add3A_225 = arith.constant 5 : i32
    %add3A_226 = vector.broadcast %add3A_225 : i32 to vector<8x88xi32>
    %add3A_227 = arith.addi %mul3A_224, %add3A_226 : vector<8x88xi32>
    %add3A_228 = arith.addi %add3A_227, %sub3A_207 : vector<8x88xi32>
    %lt3A_229 = arith.constant 5 : i32
    %lt3A_230 = vector.broadcast %lt3A_229 : i32 to vector<8x88xi32>
    %lt3A_231 = arith.cmpi slt, %add3A_169, %lt3A_230 : vector<8x88xi32>
    %lt3A_232 = arith.constant 197 : i32
    %lt3A_233 = vector.broadcast %lt3A_232 : i32 to vector<8x88xi32>
    %lt3A_234 = arith.cmpi slt, %add3A_169, %lt3A_233 : vector<8x88xi32>
    %sub3A_235 = arith.constant 197 : i32
    %sub3A_236 = vector.broadcast %sub3A_235 : i32 to vector<8x88xi32>
    %sub3A_237 = arith.subi %add3A_169, %sub3A_236 : vector<8x88xi32>
    %add3A_238 = arith.constant 1541 : i32
    %add3A_239 = vector.broadcast %add3A_238 : i32 to vector<8x88xi32>
    %add3A_240 = arith.addi %sub3A_237, %add3A_239 : vector<8x88xi32>
    %select_n3A_241 = arith.select %lt3A_234, %add3A_228, %add3A_240 : vector<8x88xi1>, vector<8x88xi32>
    %select_n3A_242 = arith.select %lt3A_231, %add3A_169, %select_n3A_241 : vector<8x88xi1>, vector<8x88xi32>
    %mul3A_243 = arith.constant 2048 : i32
    %mul3A_244 = arith.muli %arg0, %mul3A_243 : i32
    %add3A_245 = vector.broadcast %mul3A_244 : i32 to vector<8x88xi32>
    %add3A_246 = arith.addi %select_n3A_242, %add3A_245 : vector<8x88xi32>
    %swap3A_247 = arith.constant 0 : index
    %swap3A_248 = arith.constant 0 : index
    %swap3A_249 = vector.load %arg4[%swap3A_247, %swap3A_248] : memref<8x88xi32, #tpu.memory_space<vmem>>, vector<8x88xi32>
    tpu.vector_store %arg4[%swap3A_247, %swap3A_248], %add3A_246 {strides = array<i32>} : memref<8x88xi32, #tpu.memory_space<vmem>>, vector<8x88xi32>,
    return
  }
  func.func @transform_0(%arg0: i32, %arg1: i32) -> (i32, i32, i32) {
    %c0_i32 = arith.constant 0 : i32
    %c0_i32_0 = arith.constant 0 : i32
    return %arg0, %arg1, %c0_i32 : i32, i32, i32
  }
  func.func @transform_1(%arg0: i32, %arg1: i32) -> (i32, i32, i32) {
    %c0_i32 = arith.constant 0 : i32
    %c0_i32_0 = arith.constant 0 : i32
    %c0_i32_1 = arith.constant 0 : i32
    return %arg0, %c0_i32, %c0_i32_0 : i32, i32, i32
  }
  func.func @transform_2(%arg0: i32, %arg1: i32) -> (i32, i32) {
    %c0_i32 = arith.constant 0 : i32
    %c0_i32_0 = arith.constant 0 : i32
    return %arg0, %c0_i32 : i32, i32
  }
}

</mosaic_0001>

<sc_bundles>
// kernel: kernel.4.cloned.1.call-start
scs
__scs_entry_jumppad:
0x0: {  	(pc) =	sbr.rel $0x88, $3  }
0x1: {  	(tag) =	ssettag $0x0;
	lr =	simm.s32 $0x1  }
0x2: {  	[smem:$0x3F9E] =	sst lr;
	_ =	strace $0xD0000000  }
0x3: {  	_ = 	snop  }
0x4: {  	_ = 	snop  }
0x5: {  	_ = 	snop  }
0x6: {  	_ = 	snop  }
0x7: {  	_ = 	snop  }
__scs_overlays_trampoline_lowered:
0x8: {  	[smem:$0x3FAD] =	sst s0  }
0x9: {  	[smem:$0x3FAE] =	sst s1  }
0xa: {  	[smem:$0x3FAF] =	sst s2  }
0xb: {  	[smem:$0x3FB0] =	sst s3  }
0xc: {  	[smem:$0x3FB1] =	sst s4  }
0xd: {  	[smem:$0x3FB2] =	sst s5  }
0xe: {  	[smem:$0x3FB3] =	sst s6  }
0xf: {  	[smem:$0x3FB4] =	sst s7  }
0x10: {  	[smem:$0x3FB5] =	sst s8  }
0x11: {  	[smem:$0x3FB6] =	sst s9;
	s0 =	simm.s32 @!p0 $0x0  }
0x12: {  	s1 =	sld [smem:$0x3F9C];
	s0 =	simm.s32 @p0 $0x1  }
0x13: {  	[smem:$0x3FB7] =	sst s0;
	s0 =	simm.s32 @!p1 $0x0  }
0x14: {  	s2 =	sld [smem:$0x3F9B];
	s0 =	simm.s32 @p1 $0x1  }
0x15: {  	[smem:$0x3FB8] =	sst s0;
	s0 =	simm.s32 @!p2 $0x0  }
0x16: {  	s3 =	sld [smem:$0x3FDB];
	s0 =	simm.s32 @p2 $0x1  }
0x17: {  	s4 =	simm.s32 $0x1BF5;
	[smem:$0x3FBA] =	sst s0  }
0x18: {  	s0 =	sld [smem:$0x3F9D];
	_ =	swait.ge [sflag:s4], $0x0  }
0x19: {  	s7 =	sld [smem:$0x3F9E]  }
0x1a: {  	s8 =	sadd.s32 $0xFFFFE003, lr  }
0x1b: {  	s9 =	sadd.s32 $0xFFFFFEF7, lr;
	s5 =	simm.s32 $0xFFFFFFFF;
	p2 =	slt.u32 s8, $0xFFFFF086  }
0x1c: {  	p1 =	slt.u32 s9, $0xF7A;
	s5 =	simm.s32 @!p2 $0x0  }
0x1d: {  	s5 =	simm.s32 @p1 $0x1;
	p0 =	seq.s32 s7, s2  }
0x1e: {  	s7 =	smul.u32 @!p0 $0xF7A, s2;
	p2 =	seq.s32 @!p0 s5, $0x0  }
0x1f: {  	s9 =	smul.u32 $0xF7A, s1;
	s8 =	simm.s32 @!p0 $0x1BF5;
	p2 =	por !p2, p0  }
0x20: {  	[sflag:s8] =	ssyncset.s32 @!p0 $0xFFFFF086;
	s6 =	sadd.s32 @!p0 s3, s7;
	s7 =	simm.s32 @!p0 $0x108  }
0x21: {  	s3 =	sadd.s32 s3, s9;
	s6 =	sadd.s32 @!p0 $0x88, s6;
	s7 =	simm.s32 @p2 $0x1082  }
0x22: {  	[simem:s7], [sflag:s8] =	dma.local @!p0 [hbm:s6], $0xF7A  }
0x23: {  	s9 =	sor.u32 $0xD0000000, s2;
	s6 =	simm.s32 $0x108;
	_ =	swait.ge @!p0 [sflag:s8], $0x0  }
0x24: {  	s3 =	sadd.s32 $0x88, s3;
	s6 =	simm.s32 @!p1 $0x1082;
	[sflag:s4] =	ssyncset.s32 $0xFFFFF086  }
0x25: {  	[simem:s6], [sflag:s4] =	dma.local [hbm:s3], $0xF7A  }
0x26: {  	[smem:$0x3F9E] =	sst s1;
	(tag) =	ssettag s2;
	_ =	strace s9  }
0x27: {  	s1 =	sld [smem:$0x3FAE]  }
0x28: {  	s2 =	sld [smem:$0x3FAF]  }
0x29: {  	s4 =	sld [smem:$0x3FB1]  }
0x2a: {  	p0 =	seq.s32 s5, $0x0;
	s5 =	sld [smem:$0x3FB2]  }
0x2b: {  	s6 =	sld [smem:$0x3FB3]  }
0x2c: {  	s7 =	sld [smem:$0x3FB4]  }
0x2d: {  	s3 =	simm.s32 $0x108;
	s8 =	sld [smem:$0x3FB5]  }
0x2e: {  	s3 =	simm.s32 @!p0 $0x1082;
	s9 =	sld [smem:$0x3FB6]  }
0x2f: {  	lr =	sadd.s32 s0, s3;
	s0 =	sld [smem:$0x3FAD]  }
0x30: {  	s3 =	sld [smem:$0x3FB0]  }
0x31: {  	[smem:$0x3FB9] =	sst s10  }
0x32: {  	s10 =	sld [smem:$0x3FB7];
	_ =	sdelay $0x3  }
0x33: {  	p0 =	seq.s32 s10, $0x1;
	s10 =	sld [smem:$0x3FB9];
	_ =	sdelay $0x3  }
0x34: {  	[smem:$0x3FB9] =	sst s10  }
0x35: {  	s10 =	sld [smem:$0x3FB8];
	_ =	sdelay $0x3  }
0x36: {  	p1 =	seq.s32 s10, $0x1;
	s10 =	sld [smem:$0x3FB9];
	_ =	sdelay $0x3  }
0x37: {  	[smem:$0x3FB9] =	sst s10  }
0x38: {  	s10 =	sld [smem:$0x3FBA]  }
0x39: {  	_ = 	snop;
	(pc) =	sbr.ind lr, $3  }
0x3a: {  	_ = 	snop  }
0x3b: {  	_ = 	snop  }
0x3c: {  	p2 =	seq.s32 s10, $0x1;
	s10 =	sld [smem:$0x3FB9]  }
0x3d: {  	_ =	shalt  }
0x3e: {  	_ =	shalt  }
0x3f: {  	_ =	shalt  }
0x40: {  	_ =	shalt  }
0x41: {  	_ =	shalt  }
0x42: {  	_ =	shalt  }
0x43: {  	_ =	shalt  }
0x44: {  	_ =	shalt  }
0x45: {  	_ =	shalt  }
0x46: {  	_ =	shalt  }
0x47: {  	_ =	shalt  }
0x48: {  	_ =	shalt  }
0x49: {  	_ =	shalt  }
0x4a: {  	_ =	shalt  }
0x4b: {  	_ =	shalt  }
0x4c: {  	_ =	shalt  }
0x4d: {  	_ =	shalt  }
0x4e: {  	_ =	shalt  }
0x4f: {  	_ =	shalt  }
0x50: {  	_ =	shalt  }
0x51: {  	_ =	shalt  }
0x52: {  	_ =	shalt  }
0x53: {  	_ =	shalt  }
0x54: {  	_ =	shalt  }
0x55: {  	_ =	shalt  }
0x56: {  	_ =	shalt  }
0x57: {  	_ =	shalt  }
0x58: {  	_ =	shalt  }
0x59: {  	_ =	shalt  }
0x5a: {  	_ =	shalt  }
0x5b: {  	_ =	shalt  }
0x5c: {  	_ =	shalt  }
0x5d: {  	_ =	shalt  }
0x5e: {  	_ =	shalt  }
0x5f: {  	_ =	shalt  }
0x60: {  	_ =	shalt  }
0x61: {  	_ =	shalt  }
0x62: {  	_ =	shalt  }
0x63: {  	_ =	shalt  }
0x64: {  	_ =	shalt  }
0x65: {  	_ =	shalt  }
0x66: {  	_ =	shalt  }
0x67: {  	_ =	shalt  }
0x68: {  	_ =	shalt  }
0x69: {  	_ =	shalt  }
0x6a: {  	_ =	shalt  }
0x6b: {  	_ =	shalt  }
0x6c: {  	_ =	shalt  }
0x6d: {  	_ =	shalt  }
0x6e: {  	_ =	shalt  }
0x6f: {  	_ =	shalt  }
0x70: {  	_ =	shalt  }
0x71: {  	_ =	shalt  }
0x72: {  	_ =	shalt  }
0x73: {  	_ =	shalt  }
0x74: {  	_ =	shalt  }
0x75: {  	_ =	shalt  }
0x76: {  	_ =	shalt  }
0x77: {  	_ =	shalt  }
0x78: {  	_ =	shalt  }
0x79: {  	_ =	shalt  }
0x7a: {  	_ =	shalt  }
0x7b: {  	_ =	shalt  }
0x7c: {  	_ =	shalt  }
0x7d: {  	_ =	shalt  }
0x7e: {  	_ =	shalt  }
0x7f: {  	_ =	shalt  }
0x80: {  	_ =	shalt  }
0x81: {  	_ =	shalt  }
0x82: {  	_ =	shalt  }
0x83: {  	_ =	shalt  }
0x84: {  	_ =	shalt  }
0x85: {  	_ =	shalt  }
0x86: {  	_ =	shalt  }
0x87: {  	_ =	shalt  }
.Lfunc_end0:
.L_simem_size_0:
called_computation_lowered:
.L_overlay_start_0:
0x88: {  	s2 =	sld [smem:$0x3FD9]  }
0x89: {  	s3 =	sld [smem:$0x3FFE];
	_ =	sdelay $0x1  }
0x8a: {  	s1 =	srdreg.scid  }
0x8b: {  	s0 =	sand.u32 $0x1, s1  }
0x8c: {  	s14 =	sshll.u32 s0, $0xA;
	s2 =	sadd.s32 s3, s2  }
0x8d: {  	s2 =	sadd.s32 s2, s14  }
0x8e: {  	[smem:$0x3FC5] =	sst s2  }
0x8f: {  	_ = 	snop  }
0x90: {  	s2 =	sld [smem:$0x3FD0];
	_ =	sdelay $0x1  }
0x91: {  	s15 =	sld [smem:$0x3FC9]  }
0x92: {  	s5 =	simm.s32 $0xA;
	s6 =	simm.s32 $0x10;
	s4 =	sld [smem:$0x3FC8]  }
0x93: {  	[smem:s6], [sflag:s5] =	dma.local [hbm:s2], $0x1  }
0x94: {  	_ =	swait.eq [sflag:s5], $0x1  }
0x95: {  	[sflag:s5] =	ssyncset.done $0x0  }
0x96: {  	s16 =	sld [smem:$0x10];
	[sflag:s5] =	ssyncadd.s32 $0xFFFFFFFF  }
0x97: {  	s17 =	sld [smem:$0x11];
	(tm) =	ssettm $0x1  }
0x98: {  	s18 =	sld [smem:$0x3FFB];
	_ =	sdelay $0x3  }
0x99: {  	_ =	strace s18  }
0x9a: {  	s6 =	sld [smem:$0x3FFC];
	_ =	sdelay $0x3  }
0x9b: {  	_ =	strace s6  }
0x9c: {  	s6 =	sld [smem:$0x3FFD];
	_ =	sdelay $0x3  }
0x9d: {  	_ =	strace s6  }
0x9e: {  	_ =	strace $0x8FFFFFFF  }
0x9f: {  	s19 =	sld [smem:$0x3FDB];
	_ =	sdelay $0x1  }
0xa0: {  	s7 =	simm.s32 $_scs_section_size  }
0xa1: {  	s8 =	simm.s32 $_size__tile_overlayer_lowered;
	s9 =	simm.s32 $_tile_overlayer_lowered  }
0xa2: {  	s22 =	simm.s32 $0x1BFF;
	s21 =	sshll.u32 s9, $0x1;
	s6 =	sadd.s32 s7, s19  }
0xa3: {  	s10 =	simm.s32 $0x0;
	s20 =	sshll.u32 s8, $0x1;
	s8 =	sadd.s32 s21, s6  }
0xa4: {  	[timem:s10], [sflag:s22] =	dma.local [hbm:s8], s20  }
0xa5: {  	_ =	swait.ge [sflag:s22], s20  }
0xa6: {  	s7 =	ssub.s32 $0x0, s20;
	[sflag:s22] =	ssyncset.done $0x0  }
0xa7: {  	[sflag:s22] =	ssyncadd.s32 s7;
	_ =	sdelay $0x1  }
0xa8: {  	s23 =	simm.s32 $0x1B8B  }
0xa9: {  	_ =	swait.ge [sflag:s23], $0x1  }
0xaa: {  	[sflag:s23] =	ssyncset.done $0x0  }
0xab: {  	s25 =	simm.s32 $0x1B8E;
	s24 =	sld [smem:$0x3FFE];
	[sflag:s23] =	ssyncadd.s32 $0xFFFFFFFF  }
0xac: {  	s26 =	simm.s32 $execute0_lowered;
	[smem:$0x3FD2] =	sst s25  }
0xad: {  	s8 =	sshll.u32 s26, $0x1;
	_ =	strace $0x80000046;
	[dreg:$0x1] =	wrdreg $0xFFFFFFFF  }
0xae: {  	s28 =	simm.s32 $_size_execute0_lowered;
	s6 =	sadd.s32 s6, s8;
	[dreg:$0x0] =	wrdreg $0x0  }
0xaf: {  	s8 =	sshll.u32 s28, $0x1;
	[dreg:$0x2] =	wrdreg s6  }
0xb0: {  	[dreg:$0x3] =	wrdreg s8  }
0xb1: {  	[dreg:$0x4] =	wrdreg $0xC0  }
0xb2: {  	_ =	task [dreg:s10], $0x5FFFF  }
0xb3: {  	[dreg:$0x1] =	wrdreg $0xFFFFFFFF  }
0xb4: {  	[dreg:$0x0] =	wrdreg $0x60  }
0xb5: {  	[dreg:$0x2] =	wrdreg s15  }
0xb6: {  	[dreg:$0x3] =	wrdreg s4  }
0xb7: {  	[dreg:$0x4] =	wrdreg s24  }
0xb8: {  	[dreg:$0x5] =	wrdreg s16  }
0xb9: {  	[dreg:$0x6] =	wrdreg s17  }
0xba: {  	[dreg:$0x7] =	wrdreg $0x9  }
0xbb: {  	_ =	task.clear_ibuf [dreg:s10], $0x8FFFF;
	_ =	strace $0x90000046  }
0xbc: {  	s29 =	simm.s32 $0x9;
	_ =	strace $0x80000048  }
0xbd: {  	_ =	swait.ge [sflag:s29], $0x1  }
0xbe: {  	[sflag:s29] =	ssyncadd.s32 $0xFFFFFFFF  }
0xbf: {  	_ =	strace $0x90000048  }
0xc0: {  	_ =	sfence  }
0xc1: {  	s30 =	sld [smem:$0x0];
	_ =	sdelay $0x2  }
0xc2: {  	s31 =	sshll.u32 s1, $0xD;
	s1 =	sshrl.u32 s1, $0x2  }
0xc3: {  	s3 =	sand.u32 $0x4000, s31;
	s1 =	sadd.s32 s1, s30  }
0xc4: {  	s0 =	sor.u32 s3, s0;
	s1 =	sshll.u32 s1, $0x11  }
0xc5: {  	s0 =	sor.u32 s1, s0  }
0xc6: {  	s0 =	sadd.s32 $0x8F2B, s0  }
0xc7: {  	[sflag:s0] =	ssyncadd.remote.s32 $0x1  }
0xc8: {  	_ =	sfence.sel $0xFFFF  }
0xc9: {  	[dreg:$0x0] =	wrdreg $0xFFFFFFFF;
	(pc) =	sbr.abs _section_cstart, $3  }
0xca: {  	[dreg:$0x1] =	wrdreg $0xFFFFFFFF  }
0xcb: {  	_ =	task.clear_ibuf [dreg:s10], $0x2FFFF;
	_ =	strace $0x9FFFFFFF  }
0xcc: {  	(tm) =	ssettm $0x7FFFFFFF  }
0xcd: {  	_ =	shalt  }
tec
execute0_lowered:
.L_overlay_start_1:
0x0: {  	(tag) =	ssettag $0x1  }
0x1: {  	s1 =	rddreg [dreg:$0x0]  }
0x2: {  	s2 =	rddreg [dreg:$0x1]  }
0x3: {  	s5 =	rddreg [dreg:$0x2]  }
0x4: {  	s23 =	rddreg [dreg:$0x3];
	s0 =	srdreg.scid  }
0x5: {  	s28 =	rddreg [dreg:$0x4];
	s30 =	sand.u32 $0x1, s0  }
0x6: {  	s3 =	stileid.u32;
	s4 =	simm.s32 $0x0;
	s6 =	sshll.u32 s30, $0x6  }
0x7: {  	s0 =	rddreg [dreg:$0x5];
	s31 =	sshll.u32 s3, $0x7;
	s5 =	sadd.s32 s6, s5  }
0x8: {  	[smem:$0x7FF] =	sst s4;
	s5 =	sadd.s32 s31, s5  }
0x9: {  	_ =	strace $0x80000047;
	s6 =	simm.s32 $0x3;
	s5 =	sadd.s32 $0xC00, s5  }
0xa: {  	[tilespmem:s4], [sflag:$0x3] =	stream.linear.gather [hbm4b:s5+s4], $0x200, $0x38;
	[tilespmem:$0x16200] =	vst v63  }
0xb: {  	_ =	swait.ge [sflag:s6], $0x200  }
0xc: {  	[sflag:s6] =	ssyncset.done $0x0  }
0xd: {  	s7 =	simm.s32 $0x58;
	s8 =	simm.s32 $0x200;
	[sflag:s6] =	ssyncadd.s32 $0xFFFFFE00  }
0xe: {  	[tilespmem:s8], [sflag:$0x1] =	stream.indirect.gather [hbm4b:s1+s7], $0x80, s4, s7, $0xb8;
	[tilespmem:$0x16200] =	vst v63  }
0xf: {  	s9 =	simm.s32 $0x80;
	s10 =	simm.s32 $0x2E00  }
0x10: {  	[tilespmem:s10], [sflag:$0x1] =	stream.indirect.gather [hbm4b:s1+s7], $0x80, s9, s7, $0xb8;
	[tilespmem:$0x16200] =	vst v63  }
0x11: {  	s11 =	simm.s32 $0x100;
	s12 =	simm.s32 $0x5A00  }
0x12: {  	[tilespmem:s12], [sflag:$0x1] =	stream.indirect.gather [hbm4b:s1+s7], $0x80, s11, s7, $0xb8;
	[tilespmem:$0x16200] =	vst v63  }
0x13: {  	s13 =	simm.s32 $0x180;
	s14 =	simm.s32 $0x8600  }
0x14: {  	[tilespmem:s14], [sflag:$0x1] =	stream.indirect.gather [hbm4b:s1+s7], $0x80, s13, s7, $0xb8;
	[tilespmem:$0x16200] =	vst v63  }
0x15: {  	s15 =	simm.s32 $0xB200  }
0x16: {  	[tilespmem:s15], [sflag:$0x1] =	stream.indirect.gather [hbm4b:s2+s7], $0x80, s4, s7, $0xb8;
	[tilespmem:$0x16200] =	vst v63  }
0x17: {  	s16 =	simm.s32 $0xDE00  }
0x18: {  	[tilespmem:s16], [sflag:$0x1] =	stream.indirect.gather [hbm4b:s2+s7], $0x80, s9, s7, $0xb8;
	[tilespmem:$0x16200] =	vst v63  }
0x19: {  	s17 =	simm.s32 $0x10A00  }
0x1a: {  	[tilespmem:s17], [sflag:$0x1] =	stream.indirect.gather [hbm4b:s2+s7], $0x80, s11, s7, $0xb8;
	[tilespmem:$0x16200] =	vst v63  }
0x1b: {  	s18 =	simm.s32 $0x13600;
	s19 =	simm.s32 $0x1  }
0x1c: {  	[tilespmem:s18], [sflag:$0x1] =	stream.indirect.gather [hbm4b:s2+s7], $0x80, s13, s7, $0xb8;
	[tilespmem:$0x16200] =	vst v63  }
0x1d: {  	_ =	swait.ge [sflag:s19], $0x2C00  }
0x1e: {  	[sflag:s19] =	ssyncset.done $0x0  }
0x1f: {  	[sflag:s19] =	ssyncadd.s32 $0xFFFFD400  }
0x20: {  	_ =	swait.ge [sflag:s19], $0x2C00  }
0x21: {  	[sflag:s19] =	ssyncset.done $0x0  }
0x22: {  	[sflag:s19] =	ssyncadd.s32 $0xFFFFD400  }
0x23: {  	_ =	swait.ge [sflag:s19], $0x2C00  }
0x24: {  	[sflag:s19] =	ssyncset.done $0x0  }
0x25: {  	[sflag:s19] =	ssyncadd.s32 $0xFFFFD400  }
0x26: {  	_ =	swait.ge [sflag:s19], $0x2C00  }
0x27: {  	[sflag:s19] =	ssyncset.done $0x0  }
0x28: {  	[sflag:s19] =	ssyncadd.s32 $0xFFFFD400  }
0x29: {  	_ =	swait.ge [sflag:s19], $0x2C00  }
0x2a: {  	[sflag:s19] =	ssyncset.done $0x0  }
0x2b: {  	[sflag:s19] =	ssyncadd.s32 $0xFFFFD400  }
0x2c: {  	_ =	swait.ge [sflag:s19], $0x2C00  }
0x2d: {  	[sflag:s19] =	ssyncset.done $0x0  }
0x2e: {  	[sflag:s19] =	ssyncadd.s32 $0xFFFFD400  }
0x2f: {  	s20 =	sshll.u32 s3, $0x1;
	_ =	swait.ge [sflag:s19], $0x2C00  }
0x30: {  	s20 =	sor.u32 s30, s20;
	[sflag:s19] =	ssyncset.done $0x0  }
0x31: {  	s21 =	smul.u32 $0xB000, s20;
	[sflag:s19] =	ssyncadd.s32 $0xFFFFD400  }
0x32: {  	s24 =	smul.u32 $0x1600, s20;
	_ =	swait.ge [sflag:s19], $0x2C00  }
0x33: {  	s22 =	sshrl.u32 s21, $0x3;
	[sflag:s19] =	ssyncset.done $0x0  }
0x34: {  	s20 =	sadd.s32 s23, s24;
	s25 =	sadd.s32 $0x580, s22;
	[sflag:s19] =	ssyncadd.s32 $0xFFFFD400  }
0x35: {  	[hbm4b:s20+s4] =	stream.linear.scatter [tilespmem:s8], [sflag:$0x2], $0x2C00, $0x38;
	[tilespmem:$0x16200] =	vst v63  }
0x36: {  	s26 =	sadd.s32 $0xB00, s22;
	s21 =	sadd.s32 s23, s25  }
0x37: {  	[hbm4b:s21+s4] =	stream.linear.scatter [tilespmem:s10], [sflag:$0x2], $0x2C00, $0x38;
	[tilespmem:$0x16200] =	vst v63  }
0x38: {  	s29 =	sadd.s32 $0x1080, s22;
	s22 =	sadd.s32 s23, s26  }
0x39: {  	[hbm4b:s22+s4] =	stream.linear.scatter [tilespmem:s12], [sflag:$0x2], $0x2C00, $0x38;
	[tilespmem:$0x16200] =	vst v63  }
0x3a: {  	s23 =	sadd.s32 s23, s29  }
0x3b: {  	[hbm4b:s23+s4] =	stream.linear.scatter [tilespmem:s14], [sflag:$0x2], $0x2C00, $0x38;
	[tilespmem:$0x16200] =	vst v63  }
0x3c: {  	s24 =	sadd.s32 s28, s24  }
0x3d: {  	[hbm4b:s24+s4] =	stream.linear.scatter [tilespmem:s15], [sflag:$0x2], $0x2C00, $0x38;
	[tilespmem:$0x16200] =	vst v63  }
0x3e: {  	s25 =	sadd.s32 s28, s25  }
0x3f: {  	[hbm4b:s25+s4] =	stream.linear.scatter [tilespmem:s16], [sflag:$0x2], $0x2C00, $0x38;
	[tilespmem:$0x16200] =	vst v63  }
0x40: {  	s26 =	sadd.s32 s28, s26  }
0x41: {  	[hbm4b:s26+s4] =	stream.linear.scatter [tilespmem:s17], [sflag:$0x2], $0x2C00, $0x38;
	[tilespmem:$0x16200] =	vst v63  }
0x42: {  	s28 =	sadd.s32 s28, s29;
	s29 =	simm.s32 $0x2  }
0x43: {  	[hbm4b:s28+s4] =	stream.linear.scatter [tilespmem:s18], [sflag:$0x2], $0x2C00, $0x38;
	[tilespmem:$0x16200] =	vst v63  }
0x44: {  	_ =	swait.ge [sflag:s29], $0x2C00  }
0x45: {  	[sflag:s29] =	ssyncset.done $0x0  }
0x46: {  	[sflag:s29] =	ssyncadd.s32 $0xFFFFD400  }
0x47: {  	_ =	swait.ge [sflag:s29], $0x2C00  }
0x48: {  	[sflag:s29] =	ssyncset.done $0x0  }
0x49: {  	[sflag:s29] =	ssyncadd.s32 $0xFFFFD400  }
0x4a: {  	_ =	swait.ge [sflag:s29], $0x2C00  }
0x4b: {  	[sflag:s29] =	ssyncset.done $0x0  }
0x4c: {  	[sflag:s29] =	ssyncadd.s32 $0xFFFFD400  }
0x4d: {  	_ =	swait.ge [sflag:s29], $0x2C00  }
0x4e: {  	[sflag:s29] =	ssyncset.done $0x0  }
0x4f: {  	[sflag:s29] =	ssyncadd.s32 $0xFFFFD400  }
0x50: {  	_ =	swait.ge [sflag:s29], $0x2C00  }
0x51: {  	s30 =	ssub.s32 $0x2, s30;
	[sflag:s29] =	ssyncset.done $0x0  }
0x52: {  	s31 =	sshrl.u32 s30, $0x1;
	[sflag:s29] =	ssyncadd.s32 $0xFFFFD400  }
0x53: {  	s30 =	ssub.s32 s30, s31;
	_ =	swait.ge [sflag:s29], $0x2C00  }
0x54: {  	s30 =	smax.u32 s30, $0x1;
	[sflag:s29] =	ssyncset.done $0x0  }
0x55: {  	p0 =	sne.s32 s30, $0x1;
	[sflag:s29] =	ssyncadd.s32 $0xFFFFD400  }
.Ltmp0:
0x56: {  	_ =	swait.ge [sflag:s29], $0x2C00;
	(pc) =	sbr.rel @!p0 .LBB2_2-.Ltmp0, $4  }
0x57: {  	[sflag:s29] =	ssyncset.done $0x0  }
0x58: {  	[sflag:s29] =	ssyncadd.s32 $0xFFFFD400  }
0x59: {  	_ =	swait.ge [sflag:s29], $0x2C00  }
0x5a: {  	s30 =	sadd.s32 $0xFFFFFFFF, s30;
	[sflag:s29] =	ssyncset.done $0x0  }
.LBB2_1:
0x5b: {  	p0 =	sne.s32 s30, $0x1;
	s30 =	sadd.s32 $0xFFFFFFFF, s30;
	[sflag:s29] =	ssyncadd.s32 $0xFFFFD400  }
0x5c: {  	[tilespmem:s4], [sflag:$0x3] =	stream.linear.gather [hbm4b:s5+s4], $0x200, $0x38;
	[tilespmem:$0x16200] =	vst v63  }
0x5d: {  	_ =	swait.ge [sflag:s6], $0x200  }
0x5e: {  	[sflag:s6] =	ssyncset.done $0x0  }
0x5f: {  	[sflag:s6] =	ssyncadd.s32 $0xFFFFFE00  }
0x60: {  	[tilespmem:s8], [sflag:$0x1] =	stream.indirect.gather [hbm4b:s1+s7], $0x80, s4, s7, $0xb8;
	[tilespmem:$0x16200] =	vst v63  }
0x61: {  	_ = 	snop  }
0x62: {  	[tilespmem:s10], [sflag:$0x1] =	stream.indirect.gather [hbm4b:s1+s7], $0x80, s9, s7, $0xb8;
	[tilespmem:$0x16200] =	vst v63  }
0x63: {  	_ = 	snop  }
0x64: {  	[tilespmem:s12], [sflag:$0x1] =	stream.indirect.gather [hbm4b:s1+s7], $0x80, s11, s7, $0xb8;
	[tilespmem:$0x16200] =	vst v63  }
0x65: {  	_ = 	snop  }
0x66: {  	[tilespmem:s14], [sflag:$0x1] =	stream.indirect.gather [hbm4b:s1+s7], $0x80, s13, s7, $0xb8;
	[tilespmem:$0x16200] =	vst v63  }
0x67: {  	_ = 	snop  }
0x68: {  	[tilespmem:s15], [sflag:$0x1] =	stream.indirect.gather [hbm4b:s2+s7], $0x80, s4, s7, $0xb8;
	[tilespmem:$0x16200] =	vst v63  }
0x69: {  	_ = 	snop  }
0x6a: {  	[tilespmem:s16], [sflag:$0x1] =	stream.indirect.gather [hbm4b:s2+s7], $0x80, s9, s7, $0xb8;
	[tilespmem:$0x16200] =	vst v63  }
0x6b: {  	_ = 	snop  }
0x6c: {  	[tilespmem:s17], [sflag:$0x1] =	stream.indirect.gather [hbm4b:s2+s7], $0x80, s11, s7, $0xb8;
	[tilespmem:$0x16200] =	vst v63  }
0x6d: {  	_ = 	snop  }
0x6e: {  	[tilespmem:s18], [sflag:$0x1] =	stream.indirect.gather [hbm4b:s2+s7], $0x80, s13, s7, $0xb8;
	[tilespmem:$0x16200] =	vst v63  }
0x6f: {  	_ =	swait.ge [sflag:s19], $0x2C00  }
0x70: {  	[sflag:s19] =	ssyncset.done $0x0  }
0x71: {  	[sflag:s19] =	ssyncadd.s32 $0xFFFFD400  }
0x72: {  	_ =	swait.ge [sflag:s19], $0x2C00  }
0x73: {  	[sflag:s19] =	ssyncset.done $0x0  }
0x74: {  	[sflag:s19] =	ssyncadd.s32 $0xFFFFD400  }
0x75: {  	_ =	swait.ge [sflag:s19], $0x2C00  }
0x76: {  	[sflag:s19] =	ssyncset.done $0x0  }
0x77: {  	[sflag:s19] =	ssyncadd.s32 $0xFFFFD400  }
0x78: {  	_ =	swait.ge [sflag:s19], $0x2C00  }
0x79: {  	[sflag:s19] =	ssyncset.done $0x0  }
0x7a: {  	[sflag:s19] =	ssyncadd.s32 $0xFFFFD400  }
0x7b: {  	_ =	swait.ge [sflag:s19], $0x2C00  }
0x7c: {  	[sflag:s19] =	ssyncset.done $0x0  }
0x7d: {  	[sflag:s19] =	ssyncadd.s32 $0xFFFFD400  }
0x7e: {  	_ =	swait.ge [sflag:s19], $0x2C00  }
0x7f: {  	[sflag:s19] =	ssyncset.done $0x0  }
0x80: {  	[sflag:s19] =	ssyncadd.s32 $0xFFFFD400  }
0x81: {  	_ =	swait.ge [sflag:s19], $0x2C00  }
0x82: {  	[sflag:s19] =	ssyncset.done $0x0  }
0x83: {  	[sflag:s19] =	ssyncadd.s32 $0xFFFFD400  }
0x84: {  	_ =	swait.ge [sflag:s19], $0x2C00  }
0x85: {  	[sflag:s19] =	ssyncset.done $0x0  }
0x86: {  	[sflag:s19] =	ssyncadd.s32 $0xFFFFD400  }
0x87: {  	[hbm4b:s20+s4] =	stream.linear.scatter [tilespmem:s8], [sflag:$0x2], $0x2C00, $0x38;
	[tilespmem:$0x16200] =	vst v63  }
0x88: {  	_ = 	snop  }
0x89: {  	[hbm4b:s21+s4] =	stream.linear.scatter [tilespmem:s10], [sflag:$0x2], $0x2C00, $0x38;
	[tilespmem:$0x16200] =	vst v63  }
0x8a: {  	_ = 	snop  }
0x8b: {  	[hbm4b:s22+s4] =	stream.linear.scatter [tilespmem:s12], [sflag:$0x2], $0x2C00, $0x38;
	[tilespmem:$0x16200] =	vst v63  }
0x8c: {  	_ = 	snop  }
0x8d: {  	[hbm4b:s23+s4] =	stream.linear.scatter [tilespmem:s14], [sflag:$0x2], $0x2C00, $0x38;
	[tilespmem:$0x16200] =	vst v63  }
0x8e: {  	_ = 	snop  }
0x8f: {  	[hbm4b:s24+s4] =	stream.linear.scatter [tilespmem:s15], [sflag:$0x2], $0x2C00, $0x38;
	[tilespmem:$0x16200] =	vst v63  }
0x90: {  	_ = 	snop  }
0x91: {  	[hbm4b:s25+s4] =	stream.linear.scatter [tilespmem:s16], [sflag:$0x2], $0x2C00, $0x38;
	[tilespmem:$0x16200] =	vst v63  }
0x92: {  	_ = 	snop  }
0x93: {  	[hbm4b:s26+s4] =	stream.linear.scatter [tilespmem:s17], [sflag:$0x2], $0x2C00, $0x38;
	[tilespmem:$0x16200] =	vst v63  }
0x94: {  	_ = 	snop  }
0x95: {  	[hbm4b:s28+s4] =	stream.linear.scatter [tilespmem:s18], [sflag:$0x2], $0x2C00, $0x38;
	[tilespmem:$0x16200] =	vst v63  }
0x96: {  	_ =	swait.ge [sflag:s29], $0x2C00  }
0x97: {  	[sflag:s29] =	ssyncset.done $0x0  }
0x98: {  	[sflag:s29] =	ssyncadd.s32 $0xFFFFD400  }
0x99: {  	_ =	swait.ge [sflag:s29], $0x2C00  }
0x9a: {  	[sflag:s29] =	ssyncset.done $0x0  }
0x9b: {  	[sflag:s29] =	ssyncadd.s32 $0xFFFFD400  }
0x9c: {  	_ =	swait.ge [sflag:s29], $0x2C00  }
0x9d: {  	[sflag:s29] =	ssyncset.done $0x0  }
0x9e: {  	[sflag:s29] =	ssyncadd.s32 $0xFFFFD400  }
0x9f: {  	_ =	swait.ge [sflag:s29], $0x2C00  }
0xa0: {  	[sflag:s29] =	ssyncset.done $0x0  }
0xa1: {  	[sflag:s29] =	ssyncadd.s32 $0xFFFFD400  }
0xa2: {  	_ =	swait.ge [sflag:s29], $0x2C00  }
0xa3: {  	[sflag:s29] =	ssyncset.done $0x0  }
0xa4: {  	[sflag:s29] =	ssyncadd.s32 $0xFFFFD400  }
0xa5: {  	_ =	swait.ge [sflag:s29], $0x2C00  }
0xa6: {  	[sflag:s29] =	ssyncset.done $0x0  }
0xa7: {  	[sflag:s29] =	ssyncadd.s32 $0xFFFFD400  }
.Ltmp1:
0xa8: {  	_ =	swait.ge [sflag:s29], $0x2C00;
	(pc) =	sbr.rel @p0 .LBB2_1-.Ltmp1, $4  }
0xa9: {  	[sflag:s29] =	ssyncset.done $0x0  }
0xaa: {  	[sflag:s29] =	ssyncadd.s32 $0xFFFFD400  }
0xab: {  	_ =	swait.ge [sflag:s29], $0x2C00  }
0xac: {  	[sflag:s29] =	ssyncset.done $0x0  }
.LBB2_2:
0xad: {  	[sflag:s29] =	ssyncadd.s32 $0xFFFFD400  }
0xae: {  	_ =	sfence.sel $0x180000  }
0xaf: {  	[bflag:$0x0] =	sbarrier.arrive $0xFFFF  }
0xb0: {  	p0 =	sne.s32 s3, $0x0;
	_ =	strace $0x90000047  }
0xb1: {  	s0 =	sadd.s32 @!p0 $0x100000, s0;
	[bflag:$0x2] =	sbarrier.arrive $0xFFFF  }
0xb2: {  	[sflag:s0] =	ssyncadd.tile.s32 @!p0 $0x1;
	_ =	shalt  }
.Lfunc_end2:
_tile_overlayer_lowered:
.L_overlay_start_2:
0xb3: {  	(tag) =	ssettag $0x2  }
0xb4: {  	s0 =	rddreg [dreg:$0x0];
	s2 =	stileid.u32  }
0xb5: {  	s1 =	rddreg [dreg:$0x1];
	p0 =	sne.s32 s2, $0x0  }
0xb6: {  	s3 =	rddreg [dreg:$0x2];
	[bflag:$0x3] =	sbarrier.arrive $0xFFFF;
	s2 =	simm.s32 @!p0 $0x1C03  }
0xb7: {  	[timem:s3], [sflag:s2] =	dma.local @!p0 [hbm:s0], s1  }
0xb8: {  	s0 =	simm.s32 @!p0 $0x3  }
0xb9: {  	_ =	swait.ge @!p0 [sflag:s0], s1  }
0xba: {  	s1 =	ssub.s32 @!p0 $0x0, s1;
	[sflag:s0] =	ssyncset.done @!p0 $0x0  }
0xbb: {  	[sflag:s0] =	ssyncadd.s32 @!p0 s1  }
0xbc: {  	[bflag:$0x3] =	sbarrier.arrive $0xFFFF  }
0xbd: {  	_ =	shalt  }

</sc_bundles>
